<compile_context>
chip_gen: v7x
topology: tpu7x:2x2x1
jax: 0.10.2.dev20260603
libtpu: 0.0.44.dev20260713+nightly
codegen_flags: <defaults>
</compile_context>

<pallas_src>
import functools

import jax
import jax.numpy as jnp
from jax import lax
from jax.experimental import pallas as pl
from jax.experimental.pallas import tpu as pltpu
from jax.experimental.pallas import tpu_sc as plsc

N = 10000
E = 320000
D = 128
G = 64

NC = 2
NS = 16
NW = NC * NS

B = 128
NCH = E // B
KMAX = (NCH + NW - 1) // NW

ROWS_PER_TILE = 640
NPAD = ROWS_PER_TILE * NS


def _seg_body(src_hbm, dst_hbm, x_hbm, out_hbm, idx_s, idx_d, rows, acc, sem):
    cid = lax.axis_index("c")
    sid = lax.axis_index("s")
    wid = sid * NC + cid

    zeros16 = jnp.zeros((16,), jnp.float32)

    def zbody(i, carry):
        for j in range(D // 16):
            rows[i, pl.ds(j * 16, 16)] = zeros16
        return carry

    lax.fori_loop(0, B, zbody, 0)
    rbase = sid * ROWS_PER_TILE
    for z in range(ROWS_PER_TILE // B):
        pltpu.sync_copy(rows, acc.at[pl.ds(rbase + z * B, B)])
    plsc.subcore_barrier()

    def chunk(k, carry):
        c = wid + k * NW

        @pl.when(c < NCH)
        def _():
            off = c * B
            pltpu.sync_copy(src_hbm.at[pl.ds(off, B)], idx_s)
            pltpu.sync_copy(dst_hbm.at[pl.ds(off, B)], idx_d)
            pltpu.async_copy(x_hbm.at[idx_s], rows, sem).wait()
            pltpu.sync_copy(rows, acc.at[idx_d], add=True)

        return carry

    lax.fori_loop(0, KMAX, chunk, 0)
    plsc.subcore_barrier()

    pltpu.sync_copy(
        acc.at[pl.ds(rbase, ROWS_PER_TILE)],
        out_hbm.at[cid, pl.ds(rbase, ROWS_PER_TILE)],
    )


@functools.cache
def _make_segsum():
    return pl.kernel(
        _seg_body,
        out_type=jax.ShapeDtypeStruct((NC, NPAD, D), jnp.float32),
        mesh=plsc.VectorSubcoreMesh(
            core_axis_name="c", subcore_axis_name="s", num_cores=NC, num_subcores=NS
        ),
        scratch_types=[
            pltpu.VMEM((B,), jnp.int32),
            pltpu.VMEM((B,), jnp.int32),
            pltpu.VMEM((B, D), jnp.float32),
            pltpu.VMEM_SHARED((NPAD, D), jnp.float32),
            pltpu.SemaphoreType.DMA,
        ],
    )


def _segsum(src, dst, x):
    return _make_segsum()(src, dst, x)


def _dotT(h, w):
    return lax.dot_general(
        h, w, (((1,), (1,)), ((), ())),
        preferred_element_type=jnp.float32,
    )


def _bn(h, g, b):
    mu = jnp.mean(h, axis=0, keepdims=True)
    var = jnp.mean((h - mu) ** 2, axis=0, keepdims=True)
    return (h - mu) * lax.rsqrt(var + 1e-5) * g + b


def _mlp0_body(eps_ref, x_ref, a_ref, wa_ref, ba_ref, wb_ref, bb_ref,
               gm_ref, bm_ref, gb_ref, bb2_ref, h_ref):
    s = 1.0 + eps_ref[0]
    h = s * x_ref[...] + a_ref[0, :N, :] + a_ref[1, :N, :]
    h = jnp.maximum(_dotT(h, wa_ref[...]) + ba_ref[...], 0.0)
    h = jnp.maximum(_dotT(h, wb_ref[...]) + bb_ref[...], 0.0)
    h = _bn(h, gm_ref[...], bm_ref[...])
    h = jnp.maximum(_bn(h, gb_ref[...], bb2_ref[...]), 0.0)
    h_ref[...] = h


def _tail_body(eps_ref, h_ref, a_ref, gid_ref, w1_ref, b1_ref,
               gm_ref, bm_ref, gb_ref, bb_ref,
               wr1_ref, br1_ref, wr2_ref, br2_ref, o_ref, h2_ref):
    s = 1.0 + eps_ref[0]
    h2 = s * h_ref[...] + a_ref[0, :N, :] + a_ref[1, :N, :]
    h2 = jnp.maximum(_dotT(h2, w1_ref[...]) + b1_ref[...], 0.0)
    h2 = _bn(h2, gm_ref[...], bm_ref[...])
    h2 = jnp.maximum(_bn(h2, gb_ref[...], bb_ref[...]), 0.0)
    h2_ref[...] = h2
    gids = gid_ref[...]
    P = (lax.broadcasted_iota(jnp.int32, (G, N), 0) == gids).astype(jnp.float32)
    sums = lax.dot_general(
        P, h2, (((1,), (0,)), ((), ())),
        preferred_element_type=jnp.float32,
    )
    cnt = jnp.sum(P, axis=1, keepdims=True)
    hg = sums / jnp.maximum(cnt, 1.0)
    r = jnp.maximum(_dotT(hg, wr1_ref[...]) + br1_ref[...], 0.0)
    o_ref[...] = _dotT(r, wr2_ref[...]) + br2_ref[...]


_smem = pl.BlockSpec(memory_space=pltpu.SMEM)
_vmem = pl.BlockSpec(memory_space=pltpu.VMEM)

_mlp0 = pl.pallas_call(
    _mlp0_body,
    out_shape=jax.ShapeDtypeStruct((N, D), jnp.float32),
    in_specs=[_smem] + [_vmem] * 10,
    out_specs=_vmem,
)

_tail = pl.pallas_call(
    _tail_body,
    out_shape=[
        jax.ShapeDtypeStruct((G, D), jnp.float32),
        jax.ShapeDtypeStruct((N, D), jnp.float32),
    ],
    in_specs=[_smem] + [_vmem] * 13,
    out_specs=[_vmem, _vmem],
)


def kernel(x, edge_index, graph_ids, eps0, W0a, b0a, W0b, b0b, gmlp0, bmlp0,
           gbn0, bbn0, eps1, W1a, b1a, gmlp1, bmlp1, gbn1, bbn1, Wr1, br1,
           Wr2, br2):
    src = edge_index[0]
    dst = edge_index[1]
    r = lambda v: v.reshape(1, D)

    a0 = _segsum(src, dst, x)
    h = _mlp0(eps0.reshape(1), x, a0, W0a, r(b0a), W0b, r(b0b),
              r(gmlp0), r(bmlp0), r(gbn0), r(bbn0))
    a1 = _segsum(src, dst, h)
    out, h2 = _tail(eps1.reshape(1), h, a1, graph_ids.reshape(1, N), W1a,
                    r(b1a), r(gmlp1), r(bmlp1), r(gbn1), r(bbn1),
                    Wr1, r(br1), Wr2, r(br2))
    return (out, h2)

# --- scband reference (transcript-rebuilt; emitter-appended) ---
"""Pipeline reference for scband-info-graph-68289980006827 (READ-ONLY COPY).

The authoritative reference and input builder live on the scoring server;
editing this copy changes nothing except your own understanding.
"""

import jax, jax.numpy as jnp
import numpy as np

N = 10000
E = 320000
D = 128
G = 64

def _lin(key, fi, fo):
    k1, k2 = jax.random.split(key)
    s = 1.0 / np.sqrt(fi)
    W = jax.random.uniform(k1, (fo, fi), minval=-s, maxval=s, dtype=jnp.float32)
    b = jax.random.uniform(k2, (fo,), minval=-s, maxval=s, dtype=jnp.float32)
    return W, b

def setup_inputs(seed: int = 0) -> dict:
    key = jax.random.key(seed)
    ks = jax.random.split(key, 12)
    inp = {}
    inp["x"] = jax.random.normal(ks[0], (N, D), dtype=jnp.float32)
    inp["edge_index"] = jax.random.randint(ks[1], (2, E), 0, N, dtype=jnp.int32)
    inp["graph_ids"] = jnp.sort(jax.random.randint(ks[2], (N,), 0, G, dtype=jnp.int32))
    inp["eps0"] = jnp.zeros((), jnp.float32)
    inp["W0a"], inp["b0a"] = _lin(ks[3], D, D)
    inp["W0b"], inp["b0b"] = _lin(ks[4], D, D)
    inp["gmlp0"] = jnp.ones((D,), jnp.float32); inp["bmlp0"] = jnp.zeros((D,), jnp.float32)
    inp["gbn0"] = jnp.ones((D,), jnp.float32); inp["bbn0"] = jnp.zeros((D,), jnp.float32)
    inp["eps1"] = jnp.zeros((), jnp.float32)
    inp["W1a"], inp["b1a"] = _lin(ks[5], D, D)
    inp["gmlp1"] = jnp.ones((D,), jnp.float32); inp["bmlp1"] = jnp.zeros((D,), jnp.float32)
    inp["gbn1"] = jnp.ones((D,), jnp.float32); inp["bbn1"] = jnp.zeros((D,), jnp.float32)
    inp["Wr1"], inp["br1"] = _lin(ks[6], D, D)
    inp["Wr2"], inp["br2"] = _lin(ks[7], D, D)
    return inp

def _bn(x, g, b):
    mu = jnp.mean(x, axis=0)
    var = jnp.var(x, axis=0)
    return (x - mu) / jnp.sqrt(var + 1e-5) * g + b

def reference(x, edge_index, graph_ids, eps0, W0a, b0a, W0b, b0b, gmlp0, bmlp0, gbn0, bbn0, eps1, W1a, b1a, gmlp1, bmlp1, gbn1, bbn1, Wr1, br1, Wr2, br2):
    src = edge_index[0]
    dst = edge_index[1]
    n = x.shape[0]
    # GIN layer 0: h = MLP0((1+eps0)*h + sum_{j in N(i)} h_j)
    agg = jax.ops.segment_sum(x[src], dst, num_segments=n)
    h = (1.0 + eps0) * x + agg
    h = jax.nn.relu(h @ W0a.T + b0a)
    h = jax.nn.relu(h @ W0b.T + b0b)
    h = _bn(h, gmlp0, bmlp0)
    h = jax.nn.relu(_bn(h, gbn0, bbn0))
    # GIN layer 1 (last)
    agg = jax.ops.segment_sum(h[src], dst, num_segments=n)
    h2 = (1.0 + eps1) * h + agg
    h2 = jax.nn.relu(h2 @ W1a.T + b1a)
    h2 = _bn(h2, gmlp1, bmlp1)
    h2 = jax.nn.relu(_bn(h2, gbn1, bbn1))
    # dgl.mean_nodes over the batched graph
    sums = jax.ops.segment_sum(h2, graph_ids, num_segments=G)
    cnt = jax.ops.segment_sum(jnp.ones((n, 1), h2.dtype), graph_ids, num_segments=G)
    hg = sums / jnp.maximum(cnt, 1.0)
    out = jax.nn.relu(hg @ Wr1.T + br1) @ Wr2.T + br2
    return (out, h2)

if __name__ == "__main__":
    import jax
    _d = setup_inputs()
    print(jax.jit(kernel)(*tuple(_d.values())))

</pallas_src>

<mosaic_0001>
#map = affine_map<(d0, d1) -> (0)>
#map1 = affine_map<(d0, d1) -> (0, 0)>
#map2 = affine_map<(d0, d1) -> (0, 0, 0)>
module attributes {stable_mosaic.version = 14 : i64} {
  func.func @_seg_body(%arg0: i32, %arg1: i32, %arg2: memref<320000xi32, #tpu.memory_space<hbm>>, %arg3: memref<320000xi32, #tpu.memory_space<hbm>>, %arg4: memref<10000x128xf32, #tpu.memory_space<hbm>>, %arg5: memref<2x10240x128xf32, #tpu.memory_space<hbm>>, %arg6: memref<128xi32, #tpu.memory_space<vmem>>, %arg7: memref<128xi32, #tpu.memory_space<vmem>>, %arg8: memref<128x128xf32, #tpu.memory_space<vmem>>, %arg9: memref<10240x128xf32, #tpu.memory_space<vmem_shared>>, %arg10: memref<!tpu.dma_semaphore, #tpu.memory_space<semaphore_mem>>) attributes {dimension_semantics = [#tpu.dimension_semantics<core_parallel>, #tpu.dimension_semantics<subcore_parallel>], iteration_bounds = array<i64: 2, 16>, scalar_prefetch = 0 : i64, scratch_operands = 5 : i64, tpu.core_type = #tpu.core_type<sc_vector_subcore>, window_params = [{transform_indices = #map}, {transform_indices = #map}, {transform_indices = #map1}, {transform_indices = #map2}]} {
    %mul3A = arith.constant 2 : i32
    %mul3A_0 = arith.muli %arg1, %mul3A : i32
    %add3A = arith.addi %mul3A_0, %arg0 : i32
    %broadcast_in_dim3A = arith.constant 0.000000e+00 : f32
    %broadcast_in_dim3A_1 = vector.broadcast %broadcast_in_dim3A : f32 to vector<16xf32>
    %scan3A = arith.constant 0 : i32
    %scan3A_2 = arith.constant 0 : i32
    %scan3A_3 = arith.constant 128 : i32
    %scan3A_4 = arith.addi %scan3A_2, %scan3A_3 : i32
    %scan3A_5 = arith.constant 1 : i32
    scf.for %scan3A_26 = %scan3A_2 to %scan3A_4 step %scan3A_5  : i32 {
      %swap3A = arith.index_cast %scan3A_26 : i32 to index
      %swap3A_27 = arith.constant 0 : index
      %swap3A_28 = tpu.vector_load %arg8[%swap3A, %swap3A_27] {strides = array<i32>} : memref<128x128xf32, #tpu.memory_space<vmem>>, vector<1x16xf32>,
      %swap3A_29 = vector.shape_cast %swap3A_28 : vector<1x16xf32> to vector<16xf32>
      %swap3A_30 = vector.shape_cast %broadcast_in_dim3A_1 : vector<16xf32> to vector<1x16xf32>
      tpu.vector_store %arg8[%swap3A, %swap3A_27], %swap3A_30 {strides = array<i32>} : memref<128x128xf32, #tpu.memory_space<vmem>>, vector<1x16xf32>,
      %swap3A_31 = arith.index_cast %scan3A_26 : i32 to index
      %swap3A_32 = arith.constant 16 : index
      %swap3A_33 = tpu.vector_load %arg8[%swap3A_31, %swap3A_32] {strides = array<i32>} : memref<128x128xf32, #tpu.memory_space<vmem>>, vector<1x16xf32>,
      %swap3A_34 = vector.shape_cast %swap3A_33 : vector<1x16xf32> to vector<16xf32>
      %swap3A_35 = vector.shape_cast %broadcast_in_dim3A_1 : vector<16xf32> to vector<1x16xf32>
      tpu.vector_store %arg8[%swap3A_31, %swap3A_32], %swap3A_35 {strides = array<i32>} : memref<128x128xf32, #tpu.memory_space<vmem>>, vector<1x16xf32>,
      %swap3A_36 = arith.index_cast %scan3A_26 : i32 to index
      %swap3A_37 = arith.constant 32 : index
      %swap3A_38 = tpu.vector_load %arg8[%swap3A_36, %swap3A_37] {strides = array<i32>} : memref<128x128xf32, #tpu.memory_space<vmem>>, vector<1x16xf32>,
      %swap3A_39 = vector.shape_cast %swap3A_38 : vector<1x16xf32> to vector<16xf32>
      %swap3A_40 = vector.shape_cast %broadcast_in_dim3A_1 : vector<16xf32> to vector<1x16xf32>
      tpu.vector_store %arg8[%swap3A_36, %swap3A_37], %swap3A_40 {strides = array<i32>} : memref<128x128xf32, #tpu.memory_space<vmem>>, vector<1x16xf32>,
      %swap3A_41 = arith.index_cast %scan3A_26 : i32 to index
      %swap3A_42 = arith.constant 48 : index
      %swap3A_43 = tpu.vector_load %arg8[%swap3A_41, %swap3A_42] {strides = array<i32>} : memref<128x128xf32, #tpu.memory_space<vmem>>, vector<1x16xf32>,
      %swap3A_44 = vector.shape_cast %swap3A_43 : vector<1x16xf32> to vector<16xf32>
      %swap3A_45 = vector.shape_cast %broadcast_in_dim3A_1 : vector<16xf32> to vector<1x16xf32>
      tpu.vector_store %arg8[%swap3A_41, %swap3A_42], %swap3A_45 {strides = array<i32>} : memref<128x128xf32, #tpu.memory_space<vmem>>, vector<1x16xf32>,
      %swap3A_46 = arith.index_cast %scan3A_26 : i32 to index
      %swap3A_47 = arith.constant 64 : index
      %swap3A_48 = tpu.vector_load %arg8[%swap3A_46, %swap3A_47] {strides = array<i32>} : memref<128x128xf32, #tpu.memory_space<vmem>>, vector<1x16xf32>,
      %swap3A_49 = vector.shape_cast %swap3A_48 : vector<1x16xf32> to vector<16xf32>
      %swap3A_50 = vector.shape_cast %broadcast_in_dim3A_1 : vector<16xf32> to vector<1x16xf32>
      tpu.vector_store %arg8[%swap3A_46, %swap3A_47], %swap3A_50 {strides = array<i32>} : memref<128x128xf32, #tpu.memory_space<vmem>>, vector<1x16xf32>,
      %swap3A_51 = arith.index_cast %scan3A_26 : i32 to index
      %swap3A_52 = arith.constant 80 : index
      %swap3A_53 = tpu.vector_load %arg8[%swap3A_51, %swap3A_52] {strides = array<i32>} : memref<128x128xf32, #tpu.memory_space<vmem>>, vector<1x16xf32>,
      %swap3A_54 = vector.shape_cast %swap3A_53 : vector<1x16xf32> to vector<16xf32>
      %swap3A_55 = vector.shape_cast %broadcast_in_dim3A_1 : vector<16xf32> to vector<1x16xf32>
      tpu.vector_store %arg8[%swap3A_51, %swap3A_52], %swap3A_55 {strides = array<i32>} : memref<128x128xf32, #tpu.memory_space<vmem>>, vector<1x16xf32>,
      %swap3A_56 = arith.index_cast %scan3A_26 : i32 to index
      %swap3A_57 = arith.constant 96 : index
      %swap3A_58 = tpu.vector_load %arg8[%swap3A_56, %swap3A_57] {strides = array<i32>} : memref<128x128xf32, #tpu.memory_space<vmem>>, vector<1x16xf32>,
      %swap3A_59 = vector.shape_cast %swap3A_58 : vector<1x16xf32> to vector<16xf32>
      %swap3A_60 = vector.shape_cast %broadcast_in_dim3A_1 : vector<16xf32> to vector<1x16xf32>
      tpu.vector_store %arg8[%swap3A_56, %swap3A_57], %swap3A_60 {strides = array<i32>} : memref<128x128xf32, #tpu.memory_space<vmem>>, vector<1x16xf32>,
      %swap3A_61 = arith.index_cast %scan3A_26 : i32 to index
      %swap3A_62 = arith.constant 112 : index
      %swap3A_63 = tpu.vector_load %arg8[%swap3A_61, %swap3A_62] {strides = array<i32>} : memref<128x128xf32, #tpu.memory_space<vmem>>, vector<1x16xf32>,
      %swap3A_64 = vector.shape_cast %swap3A_63 : vector<1x16xf32> to vector<16xf32>
      %swap3A_65 = vector.shape_cast %broadcast_in_dim3A_1 : vector<16xf32> to vector<1x16xf32>
      tpu.vector_store %arg8[%swap3A_61, %swap3A_62], %swap3A_65 {strides = array<i32>} : memref<128x128xf32, #tpu.memory_space<vmem>>, vector<1x16xf32>,
    }
    %scan3A_6 = arith.constant 128 : i32
    %mul3A_7 = arith.constant 640 : i32
    %mul3A_8 = arith.muli %arg1, %mul3A_7 : i32
    %add3A_9 = arith.constant 0 : i32
    %add3A_10 = arith.addi %mul3A_8, %add3A_9 : i32
    "tpu.region"() ({
      %run_scoped3A = tpu.sem_alloc : memref<!tpu.dma_semaphore, #tpu.memory_space<semaphore_mem>>
      %dma_start3A = arith.constant 0 : i32
      %dma_start3A_26 = tpu.memref_slice %arg9[%add3A_10, %dma_start3A] : memref<10240x128xf32, #tpu.memory_space<vmem_shared>> -> memref<128x128xf32, #tpu.memory_space<vmem_shared>>
      %dma_start3A_27 = arith.constant 0 : i32
      %dma_start3A_28 = tpu.memref_slice %arg9[%add3A_10, %dma_start3A_27] : memref<10240x128xf32, #tpu.memory_space<vmem_shared>> -> memref<128x128xf32, #tpu.memory_space<vmem_shared>>
      tpu.enqueue_dma source(%arg8 : memref<128x128xf32, #tpu.memory_space<vmem>>) target(%dma_start3A_28 : memref<128x128xf32, #tpu.memory_space<vmem_shared>>) target_semaphore(%run_scoped3A : memref<!tpu.dma_semaphore, #tpu.memory_space<semaphore_mem>>)
      %dma_wait3A = arith.constant 0 : i32
      %dma_wait3A_29 = tpu.memref_slice %arg9[%add3A_10, %dma_wait3A] : memref<10240x128xf32, #tpu.memory_space<vmem_shared>> -> memref<128x128xf32, #tpu.memory_space<vmem_shared>>
      %dma_wait3A_30 = arith.constant 0 : i32
      %dma_wait3A_31 = tpu.memref_slice %arg9[%add3A_10, %dma_wait3A_30] : memref<10240x128xf32, #tpu.memory_space<vmem_shared>> -> memref<128x128xf32, #tpu.memory_space<vmem_shared>>
      tpu.wait_dma2 semaphore(%run_scoped3A : memref<!tpu.dma_semaphore, #tpu.memory_space<semaphore_mem>>) src(%arg8 : memref<128x128xf32, #tpu.memory_space<vmem>>) dst(%dma_wait3A_31 : memref<128x128xf32, #tpu.memory_space<vmem_shared>>)
      tpu.yield
    }) : () -> ()
    %add3A_11 = arith.constant 128 : i32
    %add3A_12 = arith.addi %mul3A_8, %add3A_11 : i32
    "tpu.region"() ({
      %run_scoped3A = tpu.sem_alloc : memref<!tpu.dma_semaphore, #tpu.memory_space<semaphore_mem>>
      %dma_start3A = arith.constant 0 : i32
      %dma_start3A_26 = tpu.memref_slice %arg9[%add3A_12, %dma_start3A] : memref<10240x128xf32, #tpu.memory_space<vmem_shared>> -> memref<128x128xf32, #tpu.memory_space<vmem_shared>>
      %dma_start3A_27 = arith.constant 0 : i32
      %dma_start3A_28 = tpu.memref_slice %arg9[%add3A_12, %dma_start3A_27] : memref<10240x128xf32, #tpu.memory_space<vmem_shared>> -> memref<128x128xf32, #tpu.memory_space<vmem_shared>>
      tpu.enqueue_dma source(%arg8 : memref<128x128xf32, #tpu.memory_space<vmem>>) target(%dma_start3A_28 : memref<128x128xf32, #tpu.memory_space<vmem_shared>>) target_semaphore(%run_scoped3A : memref<!tpu.dma_semaphore, #tpu.memory_space<semaphore_mem>>)
      %dma_wait3A = arith.constant 0 : i32
      %dma_wait3A_29 = tpu.memref_slice %arg9[%add3A_12, %dma_wait3A] : memref<10240x128xf32, #tpu.memory_space<vmem_shared>> -> memref<128x128xf32, #tpu.memory_space<vmem_shared>>
      %dma_wait3A_30 = arith.constant 0 : i32
      %dma_wait3A_31 = tpu.memref_slice %arg9[%add3A_12, %dma_wait3A_30] : memref<10240x128xf32, #tpu.memory_space<vmem_shared>> -> memref<128x128xf32, #tpu.memory_space<vmem_shared>>
      tpu.wait_dma2 semaphore(%run_scoped3A : memref<!tpu.dma_semaphore, #tpu.memory_space<semaphore_mem>>) src(%arg8 : memref<128x128xf32, #tpu.memory_space<vmem>>) dst(%dma_wait3A_31 : memref<128x128xf32, #tpu.memory_space<vmem_shared>>)
      tpu.yield
    }) : () -> ()
    %add3A_13 = arith.constant 256 : i32
    %add3A_14 = arith.addi %mul3A_8, %add3A_13 : i32
    "tpu.region"() ({
      %run_scoped3A = tpu.sem_alloc : memref<!tpu.dma_semaphore, #tpu.memory_space<semaphore_mem>>
      %dma_start3A = arith.constant 0 : i32
      %dma_start3A_26 = tpu.memref_slice %arg9[%add3A_14, %dma_start3A] : memref<10240x128xf32, #tpu.memory_space<vmem_shared>> -> memref<128x128xf32, #tpu.memory_space<vmem_shared>>
      %dma_start3A_27 = arith.constant 0 : i32
      %dma_start3A_28 = tpu.memref_slice %arg9[%add3A_14, %dma_start3A_27] : memref<10240x128xf32, #tpu.memory_space<vmem_shared>> -> memref<128x128xf32, #tpu.memory_space<vmem_shared>>
      tpu.enqueue_dma source(%arg8 : memref<128x128xf32, #tpu.memory_space<vmem>>) target(%dma_start3A_28 : memref<128x128xf32, #tpu.memory_space<vmem_shared>>) target_semaphore(%run_scoped3A : memref<!tpu.dma_semaphore, #tpu.memory_space<semaphore_mem>>)
      %dma_wait3A = arith.constant 0 : i32
      %dma_wait3A_29 = tpu.memref_slice %arg9[%add3A_14, %dma_wait3A] : memref<10240x128xf32, #tpu.memory_space<vmem_shared>> -> memref<128x128xf32, #tpu.memory_space<vmem_shared>>
      %dma_wait3A_30 = arith.constant 0 : i32
      %dma_wait3A_31 = tpu.memref_slice %arg9[%add3A_14, %dma_wait3A_30] : memref<10240x128xf32, #tpu.memory_space<vmem_shared>> -> memref<128x128xf32, #tpu.memory_space<vmem_shared>>
      tpu.wait_dma2 semaphore(%run_scoped3A : memref<!tpu.dma_semaphore, #tpu.memory_space<semaphore_mem>>) src(%arg8 : memref<128x128xf32, #tpu.memory_space<vmem>>) dst(%dma_wait3A_31 : memref<128x128xf32, #tpu.memory_space<vmem_shared>>)
      tpu.yield
    }) : () -> ()
    %add3A_15 = arith.constant 384 : i32
    %add3A_16 = arith.addi %mul3A_8, %add3A_15 : i32
    "tpu.region"() ({
      %run_scoped3A = tpu.sem_alloc : memref<!tpu.dma_semaphore, #tpu.memory_space<semaphore_mem>>
      %dma_start3A = arith.constant 0 : i32
      %dma_start3A_26 = tpu.memref_slice %arg9[%add3A_16, %dma_start3A] : memref<10240x128xf32, #tpu.memory_space<vmem_shared>> -> memref<128x128xf32, #tpu.memory_space<vmem_shared>>
      %dma_start3A_27 = arith.constant 0 : i32
      %dma_start3A_28 = tpu.memref_slice %arg9[%add3A_16, %dma_start3A_27] : memref<10240x128xf32, #tpu.memory_space<vmem_shared>> -> memref<128x128xf32, #tpu.memory_space<vmem_shared>>
      tpu.enqueue_dma source(%arg8 : memref<128x128xf32, #tpu.memory_space<vmem>>) target(%dma_start3A_28 : memref<128x128xf32, #tpu.memory_space<vmem_shared>>) target_semaphore(%run_scoped3A : memref<!tpu.dma_semaphore, #tpu.memory_space<semaphore_mem>>)
      %dma_wait3A = arith.constant 0 : i32
      %dma_wait3A_29 = tpu.memref_slice %arg9[%add3A_16, %dma_wait3A] : memref<10240x128xf32, #tpu.memory_space<vmem_shared>> -> memref<128x128xf32, #tpu.memory_space<vmem_shared>>
      %dma_wait3A_30 = arith.constant 0 : i32
      %dma_wait3A_31 = tpu.memref_slice %arg9[%add3A_16, %dma_wait3A_30] : memref<10240x128xf32, #tpu.memory_space<vmem_shared>> -> memref<128x128xf32, #tpu.memory_space<vmem_shared>>
      tpu.wait_dma2 semaphore(%run_scoped3A : memref<!tpu.dma_semaphore, #tpu.memory_space<semaphore_mem>>) src(%arg8 : memref<128x128xf32, #tpu.memory_space<vmem>>) dst(%dma_wait3A_31 : memref<128x128xf32, #tpu.memory_space<vmem_shared>>)
      tpu.yield
    }) : () -> ()
    %add3A_17 = arith.constant 512 : i32
    %add3A_18 = arith.addi %mul3A_8, %add3A_17 : i32
    "tpu.region"() ({
      %run_scoped3A = tpu.sem_alloc : memref<!tpu.dma_semaphore, #tpu.memory_space<semaphore_mem>>
      %dma_start3A = arith.constant 0 : i32
      %dma_start3A_26 = tpu.memref_slice %arg9[%add3A_18, %dma_start3A] : memref<10240x128xf32, #tpu.memory_space<vmem_shared>> -> memref<128x128xf32, #tpu.memory_space<vmem_shared>>
      %dma_start3A_27 = arith.constant 0 : i32
      %dma_start3A_28 = tpu.memref_slice %arg9[%add3A_18, %dma_start3A_27] : memref<10240x128xf32, #tpu.memory_space<vmem_shared>> -> memref<128x128xf32, #tpu.memory_space<vmem_shared>>
      tpu.enqueue_dma source(%arg8 : memref<128x128xf32, #tpu.memory_space<vmem>>) target(%dma_start3A_28 : memref<128x128xf32, #tpu.memory_space<vmem_shared>>) target_semaphore(%run_scoped3A : memref<!tpu.dma_semaphore, #tpu.memory_space<semaphore_mem>>)
      %dma_wait3A = arith.constant 0 : i32
      %dma_wait3A_29 = tpu.memref_slice %arg9[%add3A_18, %dma_wait3A] : memref<10240x128xf32, #tpu.memory_space<vmem_shared>> -> memref<128x128xf32, #tpu.memory_space<vmem_shared>>
      %dma_wait3A_30 = arith.constant 0 : i32
      %dma_wait3A_31 = tpu.memref_slice %arg9[%add3A_18, %dma_wait3A_30] : memref<10240x128xf32, #tpu.memory_space<vmem_shared>> -> memref<128x128xf32, #tpu.memory_space<vmem_shared>>
      tpu.wait_dma2 semaphore(%run_scoped3A : memref<!tpu.dma_semaphore, #tpu.memory_space<semaphore_mem>>) src(%arg8 : memref<128x128xf32, #tpu.memory_space<vmem>>) dst(%dma_wait3A_31 : memref<128x128xf32, #tpu.memory_space<vmem_shared>>)
      tpu.yield
    }) : () -> ()
    %barrier3A = arith.constant 0 : index
    tpu.barrier barrier_id(%barrier3A)
    %scan3A_19 = arith.constant 0 : i32
    %scan3A_20 = arith.constant 0 : i32
    %scan3A_21 = arith.constant 79 : i32
    %scan3A_22 = arith.addi %scan3A_20, %scan3A_21 : i32
    %scan3A_23 = arith.constant 1 : i32
    scf.for %scan3A_26 = %scan3A_20 to %scan3A_22 step %scan3A_23  : i32 {
      %mul3A_27 = arith.constant 32 : i32
      %mul3A_28 = arith.muli %scan3A_26, %mul3A_27 : i32
      %add3A_29 = arith.addi %add3A, %mul3A_28 : i32
      %lt3A = arith.constant 2500 : i32
      %lt3A_30 = arith.cmpi slt, %add3A_29, %lt3A : i32
      %convert_element_type3A = arith.extui %lt3A_30 : i1 to i32
      %cond3A = arith.constant 0 : i32
      %cond3A_31 = arith.cmpi ne, %convert_element_type3A, %cond3A : i32
      scf.if %cond3A_31 {
        %mul3A_32 = arith.constant 128 : i32
        %mul3A_33 = arith.muli %add3A_29, %mul3A_32 : i32
        "tpu.region"() ({
          %run_scoped3A = tpu.sem_alloc : memref<!tpu.dma_semaphore, #tpu.memory_space<semaphore_mem>>
          %dma_start3A_38 = tpu.memref_slice %arg2[%mul3A_33] : memref<320000xi32, #tpu.memory_space<hbm>> -> memref<128xi32, #tpu.memory_space<hbm>>
          %dma_start3A_39 = tpu.memref_slice %arg2[%mul3A_33] : memref<320000xi32, #tpu.memory_space<hbm>> -> memref<128xi32, #tpu.memory_space<hbm>>
          tpu.enqueue_dma source(%dma_start3A_39 : memref<128xi32, #tpu.memory_space<hbm>>) target(%arg6 : memref<128xi32, #tpu.memory_space<vmem>>) target_semaphore(%run_scoped3A : memref<!tpu.dma_semaphore, #tpu.memory_space<semaphore_mem>>)
          %dma_wait3A_40 = tpu.memref_slice %arg2[%mul3A_33] : memref<320000xi32, #tpu.memory_space<hbm>> -> memref<128xi32, #tpu.memory_space<hbm>>
          %dma_wait3A_41 = tpu.memref_slice %arg2[%mul3A_33] : memref<320000xi32, #tpu.memory_space<hbm>> -> memref<128xi32, #tpu.memory_space<hbm>>
          tpu.wait_dma2 semaphore(%run_scoped3A : memref<!tpu.dma_semaphore, #tpu.memory_space<semaphore_mem>>) src(%dma_wait3A_41 : memref<128xi32, #tpu.memory_space<hbm>>) dst(%arg6 : memref<128xi32, #tpu.memory_space<vmem>>)
          tpu.yield
        }) : () -> ()
        "tpu.region"() ({
          %run_scoped3A = tpu.sem_alloc : memref<!tpu.dma_semaphore, #tpu.memory_space<semaphore_mem>>
          %dma_start3A_38 = tpu.memref_slice %arg3[%mul3A_33] : memref<320000xi32, #tpu.memory_space<hbm>> -> memref<128xi32, #tpu.memory_space<hbm>>
          %dma_start3A_39 = tpu.memref_slice %arg3[%mul3A_33] : memref<320000xi32, #tpu.memory_space<hbm>> -> memref<128xi32, #tpu.memory_space<hbm>>
          tpu.enqueue_dma source(%dma_start3A_39 : memref<128xi32, #tpu.memory_space<hbm>>) target(%arg7 : memref<128xi32, #tpu.memory_space<vmem>>) target_semaphore(%run_scoped3A : memref<!tpu.dma_semaphore, #tpu.memory_space<semaphore_mem>>)
          %dma_wait3A_40 = tpu.memref_slice %arg3[%mul3A_33] : memref<320000xi32, #tpu.memory_space<hbm>> -> memref<128xi32, #tpu.memory_space<hbm>>
          %dma_wait3A_41 = tpu.memref_slice %arg3[%mul3A_33] : memref<320000xi32, #tpu.memory_space<hbm>> -> memref<128xi32, #tpu.memory_space<hbm>>
          tpu.wait_dma2 semaphore(%run_scoped3A : memref<!tpu.dma_semaphore, #tpu.memory_space<semaphore_mem>>) src(%dma_wait3A_41 : memref<128xi32, #tpu.memory_space<hbm>>) dst(%arg7 : memref<128xi32, #tpu.memory_space<vmem>>)
          tpu.yield
        }) : () -> ()
        %dma_start3A = arith.constant 0 : i32
        %dma_start3A_34 = arith.constant 0 : i32
        %dma_start3A_35 = tpu.memref_slice %arg4[%dma_start3A, %dma_start3A_34] : memref<10000x128xf32, #tpu.memory_space<hbm>> -> memref<10000x128xf32, #tpu.memory_space<hbm>>
        tpu.enqueue_indirect_dma source(%dma_start3A_35 : memref<10000x128xf32, #tpu.memory_space<hbm>>) target(%arg8 : memref<128x128xf32, #tpu.memory_space<vmem>>) offsets(%arg6 : memref<128xi32, #tpu.memory_space<vmem>>) semaphore(%arg10 : memref<!tpu.dma_semaphore, #tpu.memory_space<semaphore_mem>>)
        %dma_wait3A = arith.constant 0 : i32
        %dma_wait3A_36 = arith.constant 0 : i32
        %dma_wait3A_37 = tpu.memref_slice %arg4[%dma_wait3A, %dma_wait3A_36] : memref<10000x128xf32, #tpu.memory_space<hbm>> -> memref<10000x128xf32, #tpu.memory_space<hbm>>
        tpu.wait_indirect_dma semaphore(%arg10 : memref<!tpu.dma_semaphore, #tpu.memory_space<semaphore_mem>>) src(%dma_wait3A_37 : memref<10000x128xf32, #tpu.memory_space<hbm>>) dst(%arg8 : memref<128x128xf32, #tpu.memory_space<vmem>>)
        "tpu.region"() ({
          %run_scoped3A = tpu.sem_alloc : memref<!tpu.dma_semaphore, #tpu.memory_space<semaphore_mem>>
          %dma_start3A_38 = arith.constant 0 : i32
          %dma_start3A_39 = arith.constant 0 : i32
          %dma_start3A_40 = tpu.memref_slice %arg9[%dma_start3A_38, %dma_start3A_39] : memref<10240x128xf32, #tpu.memory_space<vmem_shared>> -> memref<10240x128xf32, #tpu.memory_space<vmem_shared>>
          tpu.enqueue_indirect_dma source(%arg8 : memref<128x128xf32, #tpu.memory_space<vmem>>) target(%dma_start3A_40 : memref<10240x128xf32, #tpu.memory_space<vmem_shared>>) offsets(%arg7 : memref<128xi32, #tpu.memory_space<vmem>>) semaphore(%run_scoped3A : memref<!tpu.dma_semaphore, #tpu.memory_space<semaphore_mem>>) {add = true}
          %dma_wait3A_41 = arith.constant 0 : i32
          %dma_wait3A_42 = arith.constant 0 : i32
          %dma_wait3A_43 = tpu.memref_slice %arg9[%dma_wait3A_41, %dma_wait3A_42] : memref<10240x128xf32, #tpu.memory_space<vmem_shared>> -> memref<10240x128xf32, #tpu.memory_space<vmem_shared>>
          tpu.wait_indirect_dma semaphore(%run_scoped3A : memref<!tpu.dma_semaphore, #tpu.memory_space<semaphore_mem>>) src(%arg8 : memref<128x128xf32, #tpu.memory_space<vmem>>) dst(%dma_wait3A_43 : memref<10240x128xf32, #tpu.memory_space<vmem_shared>>)
          tpu.yield
        }) : () -> ()
      } else {
      }
    }
    %scan3A_24 = arith.constant 79 : i32
    %barrier3A_25 = arith.constant 0 : index
    tpu.barrier barrier_id(%barrier3A_25)
    "tpu.region"() ({
      %run_scoped3A = tpu.sem_alloc : memref<!tpu.dma_semaphore, #tpu.memory_space<semaphore_mem>>
      %dma_start3A = arith.constant 0 : i32
      %dma_start3A_26 = tpu.memref_slice %arg5[%arg0, %mul3A_8, %dma_start3A] : memref<2x10240x128xf32, #tpu.memory_space<hbm>> -> memref<1x640x128xf32, #tpu.memory_space<hbm>>
      %dma_start3A_27 = tpu.memref_squeeze %dma_start3A_26 : memref<1x640x128xf32, #tpu.memory_space<hbm>> -> memref<640x128xf32, #tpu.memory_space<hbm>>
      %dma_start3A_28 = arith.constant 0 : i32
      %dma_start3A_29 = tpu.memref_slice %arg9[%mul3A_8, %dma_start3A_28] : memref<10240x128xf32, #tpu.memory_space<vmem_shared>> -> memref<640x128xf32, #tpu.memory_space<vmem_shared>>
      tpu.enqueue_dma source(%dma_start3A_29 : memref<640x128xf32, #tpu.memory_space<vmem_shared>>) target(%dma_start3A_27 : memref<640x128xf32, #tpu.memory_space<hbm>>) target_semaphore(%run_scoped3A : memref<!tpu.dma_semaphore, #tpu.memory_space<semaphore_mem>>)
      %dma_wait3A = arith.constant 0 : i32
      %dma_wait3A_30 = tpu.memref_slice %arg5[%arg0, %mul3A_8, %dma_wait3A] : memref<2x10240x128xf32, #tpu.memory_space<hbm>> -> memref<1x640x128xf32, #tpu.memory_space<hbm>>
      %dma_wait3A_31 = tpu.memref_squeeze %dma_wait3A_30 : memref<1x640x128xf32, #tpu.memory_space<hbm>> -> memref<640x128xf32, #tpu.memory_space<hbm>>
      %dma_wait3A_32 = arith.constant 0 : i32
      %dma_wait3A_33 = tpu.memref_slice %arg9[%mul3A_8, %dma_wait3A_32] : memref<10240x128xf32, #tpu.memory_space<vmem_shared>> -> memref<640x128xf32, #tpu.memory_space<vmem_shared>>
      tpu.wait_dma2 semaphore(%run_scoped3A : memref<!tpu.dma_semaphore, #tpu.memory_space<semaphore_mem>>) src(%dma_wait3A_33 : memref<640x128xf32, #tpu.memory_space<vmem_shared>>) dst(%dma_wait3A_31 : memref<640x128xf32, #tpu.memory_space<hbm>>)
      tpu.yield
    }) : () -> ()
    return
  }
}

#map = affine_map<(d0, d1) -> (0)>
#map1 = affine_map<(d0, d1) -> (0, 0)>
#map2 = affine_map<(d0, d1) -> (0, 0, 0)>
module attributes {stable_mosaic.version = 14 : i64} {
  func.func @_seg_body(%arg0: i32, %arg1: i32, %arg2: memref<320000xi32, #tpu.memory_space<hbm>>, %arg3: memref<320000xi32, #tpu.memory_space<hbm>>, %arg4: memref<10000x128xf32, #tpu.memory_space<hbm>>, %arg5: memref<2x10240x128xf32, #tpu.memory_space<hbm>>, %arg6: memref<128xi32, #tpu.memory_space<vmem>>, %arg7: memref<128xi32, #tpu.memory_space<vmem>>, %arg8: memref<128x128xf32, #tpu.memory_space<vmem>>, %arg9: memref<10240x128xf32, #tpu.memory_space<vmem_shared>>, %arg10: memref<!tpu.dma_semaphore, #tpu.memory_space<semaphore_mem>>) attributes {dimension_semantics = [#tpu.dimension_semantics<core_parallel>, #tpu.dimension_semantics<subcore_parallel>], iteration_bounds = array<i64: 2, 16>, scalar_prefetch = 0 : i64, scratch_operands = 5 : i64, tpu.core_type = #tpu.core_type<sc_vector_subcore>, window_params = [{transform_indices = #map}, {transform_indices = #map}, {transform_indices = #map1}, {transform_indices = #map2}]} {
    %mul3A = arith.constant 2 : i32
    %mul3A_0 = arith.muli %arg1, %mul3A : i32
    %add3A = arith.addi %mul3A_0, %arg0 : i32
    %broadcast_in_dim3A = arith.constant 0.000000e+00 : f32
    %broadcast_in_dim3A_1 = vector.broadcast %broadcast_in_dim3A : f32 to vector<16xf32>
    %scan3A = arith.constant 0 : i32
    %scan3A_2 = arith.constant 0 : i32
    %scan3A_3 = arith.constant 128 : i32
    %scan3A_4 = arith.addi %scan3A_2, %scan3A_3 : i32
    %scan3A_5 = arith.constant 1 : i32
    scf.for %scan3A_26 = %scan3A_2 to %scan3A_4 step %scan3A_5  : i32 {
      %swap3A = arith.index_cast %scan3A_26 : i32 to index
      %swap3A_27 = arith.constant 0 : index
      %swap3A_28 = tpu.vector_load %arg8[%swap3A, %swap3A_27] {strides = array<i32>} : memref<128x128xf32, #tpu.memory_space<vmem>>, vector<1x16xf32>,
      %swap3A_29 = vector.shape_cast %swap3A_28 : vector<1x16xf32> to vector<16xf32>
      %swap3A_30 = vector.shape_cast %broadcast_in_dim3A_1 : vector<16xf32> to vector<1x16xf32>
      tpu.vector_store %arg8[%swap3A, %swap3A_27], %swap3A_30 {strides = array<i32>} : memref<128x128xf32, #tpu.memory_space<vmem>>, vector<1x16xf32>,
      %swap3A_31 = arith.index_cast %scan3A_26 : i32 to index
      %swap3A_32 = arith.constant 16 : index
      %swap3A_33 = tpu.vector_load %arg8[%swap3A_31, %swap3A_32] {strides = array<i32>} : memref<128x128xf32, #tpu.memory_space<vmem>>, vector<1x16xf32>,
      %swap3A_34 = vector.shape_cast %swap3A_33 : vector<1x16xf32> to vector<16xf32>
      %swap3A_35 = vector.shape_cast %broadcast_in_dim3A_1 : vector<16xf32> to vector<1x16xf32>
      tpu.vector_store %arg8[%swap3A_31, %swap3A_32], %swap3A_35 {strides = array<i32>} : memref<128x128xf32, #tpu.memory_space<vmem>>, vector<1x16xf32>,
      %swap3A_36 = arith.index_cast %scan3A_26 : i32 to index
      %swap3A_37 = arith.constant 32 : index
      %swap3A_38 = tpu.vector_load %arg8[%swap3A_36, %swap3A_37] {strides = array<i32>} : memref<128x128xf32, #tpu.memory_space<vmem>>, vector<1x16xf32>,
      %swap3A_39 = vector.shape_cast %swap3A_38 : vector<1x16xf32> to vector<16xf32>
      %swap3A_40 = vector.shape_cast %broadcast_in_dim3A_1 : vector<16xf32> to vector<1x16xf32>
      tpu.vector_store %arg8[%swap3A_36, %swap3A_37], %swap3A_40 {strides = array<i32>} : memref<128x128xf32, #tpu.memory_space<vmem>>, vector<1x16xf32>,
      %swap3A_41 = arith.index_cast %scan3A_26 : i32 to index
      %swap3A_42 = arith.constant 48 : index
      %swap3A_43 = tpu.vector_load %arg8[%swap3A_41, %swap3A_42] {strides = array<i32>} : memref<128x128xf32, #tpu.memory_space<vmem>>, vector<1x16xf32>,
      %swap3A_44 = vector.shape_cast %swap3A_43 : vector<1x16xf32> to vector<16xf32>
      %swap3A_45 = vector.shape_cast %broadcast_in_dim3A_1 : vector<16xf32> to vector<1x16xf32>
      tpu.vector_store %arg8[%swap3A_41, %swap3A_42], %swap3A_45 {strides = array<i32>} : memref<128x128xf32, #tpu.memory_space<vmem>>, vector<1x16xf32>,
      %swap3A_46 = arith.index_cast %scan3A_26 : i32 to index
      %swap3A_47 = arith.constant 64 : index
      %swap3A_48 = tpu.vector_load %arg8[%swap3A_46, %swap3A_47] {strides = array<i32>} : memref<128x128xf32, #tpu.memory_space<vmem>>, vector<1x16xf32>,
      %swap3A_49 = vector.shape_cast %swap3A_48 : vector<1x16xf32> to vector<16xf32>
      %swap3A_50 = vector.shape_cast %broadcast_in_dim3A_1 : vector<16xf32> to vector<1x16xf32>
      tpu.vector_store %arg8[%swap3A_46, %swap3A_47], %swap3A_50 {strides = array<i32>} : memref<128x128xf32, #tpu.memory_space<vmem>>, vector<1x16xf32>,
      %swap3A_51 = arith.index_cast %scan3A_26 : i32 to index
      %swap3A_52 = arith.constant 80 : index
      %swap3A_53 = tpu.vector_load %arg8[%swap3A_51, %swap3A_52] {strides = array<i32>} : memref<128x128xf32, #tpu.memory_space<vmem>>, vector<1x16xf32>,
      %swap3A_54 = vector.shape_cast %swap3A_53 : vector<1x16xf32> to vector<16xf32>
      %swap3A_55 = vector.shape_cast %broadcast_in_dim3A_1 : vector<16xf32> to vector<1x16xf32>
      tpu.vector_store %arg8[%swap3A_51, %swap3A_52], %swap3A_55 {strides = array<i32>} : memref<128x128xf32, #tpu.memory_space<vmem>>, vector<1x16xf32>,
      %swap3A_56 = arith.index_cast %scan3A_26 : i32 to index
      %swap3A_57 = arith.constant 96 : index
      %swap3A_58 = tpu.vector_load %arg8[%swap3A_56, %swap3A_57] {strides = array<i32>} : memref<128x128xf32, #tpu.memory_space<vmem>>, vector<1x16xf32>,
      %swap3A_59 = vector.shape_cast %swap3A_58 : vector<1x16xf32> to vector<16xf32>
      %swap3A_60 = vector.shape_cast %broadcast_in_dim3A_1 : vector<16xf32> to vector<1x16xf32>
      tpu.vector_store %arg8[%swap3A_56, %swap3A_57], %swap3A_60 {strides = array<i32>} : memref<128x128xf32, #tpu.memory_space<vmem>>, vector<1x16xf32>,
      %swap3A_61 = arith.index_cast %scan3A_26 : i32 to index
      %swap3A_62 = arith.constant 112 : index
      %swap3A_63 = tpu.vector_load %arg8[%swap3A_61, %swap3A_62] {strides = array<i32>} : memref<128x128xf32, #tpu.memory_space<vmem>>, vector<1x16xf32>,
      %swap3A_64 = vector.shape_cast %swap3A_63 : vector<1x16xf32> to vector<16xf32>
      %swap3A_65 = vector.shape_cast %broadcast_in_dim3A_1 : vector<16xf32> to vector<1x16xf32>
      tpu.vector_store %arg8[%swap3A_61, %swap3A_62], %swap3A_65 {strides = array<i32>} : memref<128x128xf32, #tpu.memory_space<vmem>>, vector<1x16xf32>,
    }
    %scan3A_6 = arith.constant 128 : i32
    %mul3A_7 = arith.constant 640 : i32
    %mul3A_8 = arith.muli %arg1, %mul3A_7 : i32
    %add3A_9 = arith.constant 0 : i32
    %add3A_10 = arith.addi %mul3A_8, %add3A_9 : i32
    "tpu.region"() ({
      %run_scoped3A = tpu.sem_alloc : memref<!tpu.dma_semaphore, #tpu.memory_space<semaphore_mem>>
      %dma_start3A = arith.constant 0 : i32
      %dma_start3A_26 = tpu.memref_slice %arg9[%add3A_10, %dma_start3A] : memref<10240x128xf32, #tpu.memory_space<vmem_shared>> -> memref<128x128xf32, #tpu.memory_space<vmem_shared>>
      %dma_start3A_27 = arith.constant 0 : i32
      %dma_start3A_28 = tpu.memref_slice %arg9[%add3A_10, %dma_start3A_27] : memref<10240x128xf32, #tpu.memory_space<vmem_shared>> -> memref<128x128xf32, #tpu.memory_space<vmem_shared>>
      tpu.enqueue_dma source(%arg8 : memref<128x128xf32, #tpu.memory_space<vmem>>) target(%dma_start3A_28 : memref<128x128xf32, #tpu.memory_space<vmem_shared>>) target_semaphore(%run_scoped3A : memref<!tpu.dma_semaphore, #tpu.memory_space<semaphore_mem>>)
      %dma_wait3A = arith.constant 0 : i32
      %dma_wait3A_29 = tpu.memref_slice %arg9[%add3A_10, %dma_wait3A] : memref<10240x128xf32, #tpu.memory_space<vmem_shared>> -> memref<128x128xf32, #tpu.memory_space<vmem_shared>>
      %dma_wait3A_30 = arith.constant 0 : i32
      %dma_wait3A_31 = tpu.memref_slice %arg9[%add3A_10, %dma_wait3A_30] : memref<10240x128xf32, #tpu.memory_space<vmem_shared>> -> memref<128x128xf32, #tpu.memory_space<vmem_shared>>
      tpu.wait_dma2 semaphore(%run_scoped3A : memref<!tpu.dma_semaphore, #tpu.memory_space<semaphore_mem>>) src(%arg8 : memref<128x128xf32, #tpu.memory_space<vmem>>) dst(%dma_wait3A_31 : memref<128x128xf32, #tpu.memory_space<vmem_shared>>)
      tpu.yield
    }) : () -> ()
    %add3A_11 = arith.constant 128 : i32
    %add3A_12 = arith.addi %mul3A_8, %add3A_11 : i32
    "tpu.region"() ({
      %run_scoped3A = tpu.sem_alloc : memref<!tpu.dma_semaphore, #tpu.memory_space<semaphore_mem>>
      %dma_start3A = arith.constant 0 : i32
      %dma_start3A_26 = tpu.memref_slice %arg9[%add3A_12, %dma_start3A] : memref<10240x128xf32, #tpu.memory_space<vmem_shared>> -> memref<128x128xf32, #tpu.memory_space<vmem_shared>>
      %dma_start3A_27 = arith.constant 0 : i32
      %dma_start3A_28 = tpu.memref_slice %arg9[%add3A_12, %dma_start3A_27] : memref<10240x128xf32, #tpu.memory_space<vmem_shared>> -> memref<128x128xf32, #tpu.memory_space<vmem_shared>>
      tpu.enqueue_dma source(%arg8 : memref<128x128xf32, #tpu.memory_space<vmem>>) target(%dma_start3A_28 : memref<128x128xf32, #tpu.memory_space<vmem_shared>>) target_semaphore(%run_scoped3A : memref<!tpu.dma_semaphore, #tpu.memory_space<semaphore_mem>>)
      %dma_wait3A = arith.constant 0 : i32
      %dma_wait3A_29 = tpu.memref_slice %arg9[%add3A_12, %dma_wait3A] : memref<10240x128xf32, #tpu.memory_space<vmem_shared>> -> memref<128x128xf32, #tpu.memory_space<vmem_shared>>
      %dma_wait3A_30 = arith.constant 0 : i32
      %dma_wait3A_31 = tpu.memref_slice %arg9[%add3A_12, %dma_wait3A_30] : memref<10240x128xf32, #tpu.memory_space<vmem_shared>> -> memref<128x128xf32, #tpu.memory_space<vmem_shared>>
      tpu.wait_dma2 semaphore(%run_scoped3A : memref<!tpu.dma_semaphore, #tpu.memory_space<semaphore_mem>>) src(%arg8 : memref<128x128xf32, #tpu.memory_space<vmem>>) dst(%dma_wait3A_31 : memref<128x128xf32, #tpu.memory_space<vmem_shared>>)
      tpu.yield
    }) : () -> ()
    %add3A_13 = arith.constant 256 : i32
    %add3A_14 = arith.addi %mul3A_8, %add3A_13 : i32
    "tpu.region"() ({
      %run_scoped3A = tpu.sem_alloc : memref<!tpu.dma_semaphore, #tpu.memory_space<semaphore_mem>>
      %dma_start3A = arith.constant 0 : i32
      %dma_start3A_26 = tpu.memref_slice %arg9[%add3A_14, %dma_start3A] : memref<10240x128xf32, #tpu.memory_space<vmem_shared>> -> memref<128x128xf32, #tpu.memory_space<vmem_shared>>
      %dma_start3A_27 = arith.constant 0 : i32
      %dma_start3A_28 = tpu.memref_slice %arg9[%add3A_14, %dma_start3A_27] : memref<10240x128xf32, #tpu.memory_space<vmem_shared>> -> memref<128x128xf32, #tpu.memory_space<vmem_shared>>
      tpu.enqueue_dma source(%arg8 : memref<128x128xf32, #tpu.memory_space<vmem>>) target(%dma_start3A_28 : memref<128x128xf32, #tpu.memory_space<vmem_shared>>) target_semaphore(%run_scoped3A : memref<!tpu.dma_semaphore, #tpu.memory_space<semaphore_mem>>)
      %dma_wait3A = arith.constant 0 : i32
      %dma_wait3A_29 = tpu.memref_slice %arg9[%add3A_14, %dma_wait3A] : memref<10240x128xf32, #tpu.memory_space<vmem_shared>> -> memref<128x128xf32, #tpu.memory_space<vmem_shared>>
      %dma_wait3A_30 = arith.constant 0 : i32
      %dma_wait3A_31 = tpu.memref_slice %arg9[%add3A_14, %dma_wait3A_30] : memref<10240x128xf32, #tpu.memory_space<vmem_shared>> -> memref<128x128xf32, #tpu.memory_space<vmem_shared>>
      tpu.wait_dma2 semaphore(%run_scoped3A : memref<!tpu.dma_semaphore, #tpu.memory_space<semaphore_mem>>) src(%arg8 : memref<128x128xf32, #tpu.memory_space<vmem>>) dst(%dma_wait3A_31 : memref<128x128xf32, #tpu.memory_space<vmem_shared>>)
      tpu.yield
    }) : () -> ()
    %add3A_15 = arith.constant 384 : i32
    %add3A_16 = arith.addi %mul3A_8, %add3A_15 : i32
    "tpu.region"() ({
      %run_scoped3A = tpu.sem_alloc : memref<!tpu.dma_semaphore, #tpu.memory_space<semaphore_mem>>
      %dma_start3A = arith.constant 0 : i32
      %dma_start3A_26 = tpu.memref_slice %arg9[%add3A_16, %dma_start3A] : memref<10240x128xf32, #tpu.memory_space<vmem_shared>> -> memref<128x128xf32, #tpu.memory_space<vmem_shared>>
      %dma_start3A_27 = arith.constant 0 : i32
      %dma_start3A_28 = tpu.memref_slice %arg9[%add3A_16, %dma_start3A_27] : memref<10240x128xf32, #tpu.memory_space<vmem_shared>> -> memref<128x128xf32, #tpu.memory_space<vmem_shared>>
      tpu.enqueue_dma source(%arg8 : memref<128x128xf32, #tpu.memory_space<vmem>>) target(%dma_start3A_28 : memref<128x128xf32, #tpu.memory_space<vmem_shared>>) target_semaphore(%run_scoped3A : memref<!tpu.dma_semaphore, #tpu.memory_space<semaphore_mem>>)
      %dma_wait3A = arith.constant 0 : i32
      %dma_wait3A_29 = tpu.memref_slice %arg9[%add3A_16, %dma_wait3A] : memref<10240x128xf32, #tpu.memory_space<vmem_shared>> -> memref<128x128xf32, #tpu.memory_space<vmem_shared>>
      %dma_wait3A_30 = arith.constant 0 : i32
      %dma_wait3A_31 = tpu.memref_slice %arg9[%add3A_16, %dma_wait3A_30] : memref<10240x128xf32, #tpu.memory_space<vmem_shared>> -> memref<128x128xf32, #tpu.memory_space<vmem_shared>>
      tpu.wait_dma2 semaphore(%run_scoped3A : memref<!tpu.dma_semaphore, #tpu.memory_space<semaphore_mem>>) src(%arg8 : memref<128x128xf32, #tpu.memory_space<vmem>>) dst(%dma_wait3A_31 : memref<128x128xf32, #tpu.memory_space<vmem_shared>>)
      tpu.yield
    }) : () -> ()
    %add3A_17 = arith.constant 512 : i32
    %add3A_18 = arith.addi %mul3A_8, %add3A_17 : i32
    "tpu.region"() ({
      %run_scoped3A = tpu.sem_alloc : memref<!tpu.dma_semaphore, #tpu.memory_space<semaphore_mem>>
      %dma_start3A = arith.constant 0 : i32
      %dma_start3A_26 = tpu.memref_slice %arg9[%add3A_18, %dma_start3A] : memref<10240x128xf32, #tpu.memory_space<vmem_shared>> -> memref<128x128xf32, #tpu.memory_space<vmem_shared>>
      %dma_start3A_27 = arith.constant 0 : i32
      %dma_start3A_28 = tpu.memref_slice %arg9[%add3A_18, %dma_start3A_27] : memref<10240x128xf32, #tpu.memory_space<vmem_shared>> -> memref<128x128xf32, #tpu.memory_space<vmem_shared>>
      tpu.enqueue_dma source(%arg8 : memref<128x128xf32, #tpu.memory_space<vmem>>) target(%dma_start3A_28 : memref<128x128xf32, #tpu.memory_space<vmem_shared>>) target_semaphore(%run_scoped3A : memref<!tpu.dma_semaphore, #tpu.memory_space<semaphore_mem>>)
      %dma_wait3A = arith.constant 0 : i32
      %dma_wait3A_29 = tpu.memref_slice %arg9[%add3A_18, %dma_wait3A] : memref<10240x128xf32, #tpu.memory_space<vmem_shared>> -> memref<128x128xf32, #tpu.memory_space<vmem_shared>>
      %dma_wait3A_30 = arith.constant 0 : i32
      %dma_wait3A_31 = tpu.memref_slice %arg9[%add3A_18, %dma_wait3A_30] : memref<10240x128xf32, #tpu.memory_space<vmem_shared>> -> memref<128x128xf32, #tpu.memory_space<vmem_shared>>
      tpu.wait_dma2 semaphore(%run_scoped3A : memref<!tpu.dma_semaphore, #tpu.memory_space<semaphore_mem>>) src(%arg8 : memref<128x128xf32, #tpu.memory_space<vmem>>) dst(%dma_wait3A_31 : memref<128x128xf32, #tpu.memory_space<vmem_shared>>)
      tpu.yield
    }) : () -> ()
    %barrier3A = arith.constant 0 : index
    tpu.barrier barrier_id(%barrier3A)
    %scan3A_19 = arith.constant 0 : i32
    %scan3A_20 = arith.constant 0 : i32
    %scan3A_21 = arith.constant 79 : i32
    %scan3A_22 = arith.addi %scan3A_20, %scan3A_21 : i32
    %scan3A_23 = arith.constant 1 : i32
    scf.for %scan3A_26 = %scan3A_20 to %scan3A_22 step %scan3A_23  : i32 {
      %mul3A_27 = arith.constant 32 : i32
      %mul3A_28 = arith.muli %scan3A_26, %mul3A_27 : i32
      %add3A_29 = arith.addi %add3A, %mul3A_28 : i32
      %lt3A = arith.constant 2500 : i32
      %lt3A_30 = arith.cmpi slt, %add3A_29, %lt3A : i32
      %convert_element_type3A = arith.extui %lt3A_30 : i1 to i32
      %cond3A = arith.constant 0 : i32
      %cond3A_31 = arith.cmpi ne, %convert_element_type3A, %cond3A : i32
      scf.if %cond3A_31 {
        %mul3A_32 = arith.constant 128 : i32
        %mul3A_33 = arith.muli %add3A_29, %mul3A_32 : i32
        "tpu.region"() ({
          %run_scoped3A = tpu.sem_alloc : memref<!tpu.dma_semaphore, #tpu.memory_space<semaphore_mem>>
          %dma_start3A_38 = tpu.memref_slice %arg2[%mul3A_33] : memref<320000xi32, #tpu.memory_space<hbm>> -> memref<128xi32, #tpu.memory_space<hbm>>
          %dma_start3A_39 = tpu.memref_slice %arg2[%mul3A_33] : memref<320000xi32, #tpu.memory_space<hbm>> -> memref<128xi32, #tpu.memory_space<hbm>>
          tpu.enqueue_dma source(%dma_start3A_39 : memref<128xi32, #tpu.memory_space<hbm>>) target(%arg6 : memref<128xi32, #tpu.memory_space<vmem>>) target_semaphore(%run_scoped3A : memref<!tpu.dma_semaphore, #tpu.memory_space<semaphore_mem>>)
          %dma_wait3A_40 = tpu.memref_slice %arg2[%mul3A_33] : memref<320000xi32, #tpu.memory_space<hbm>> -> memref<128xi32, #tpu.memory_space<hbm>>
          %dma_wait3A_41 = tpu.memref_slice %arg2[%mul3A_33] : memref<320000xi32, #tpu.memory_space<hbm>> -> memref<128xi32, #tpu.memory_space<hbm>>
          tpu.wait_dma2 semaphore(%run_scoped3A : memref<!tpu.dma_semaphore, #tpu.memory_space<semaphore_mem>>) src(%dma_wait3A_41 : memref<128xi32, #tpu.memory_space<hbm>>) dst(%arg6 : memref<128xi32, #tpu.memory_space<vmem>>)
          tpu.yield
        }) : () -> ()
        "tpu.region"() ({
          %run_scoped3A = tpu.sem_alloc : memref<!tpu.dma_semaphore, #tpu.memory_space<semaphore_mem>>
          %dma_start3A_38 = tpu.memref_slice %arg3[%mul3A_33] : memref<320000xi32, #tpu.memory_space<hbm>> -> memref<128xi32, #tpu.memory_space<hbm>>
          %dma_start3A_39 = tpu.memref_slice %arg3[%mul3A_33] : memref<320000xi32, #tpu.memory_space<hbm>> -> memref<128xi32, #tpu.memory_space<hbm>>
          tpu.enqueue_dma source(%dma_start3A_39 : memref<128xi32, #tpu.memory_space<hbm>>) target(%arg7 : memref<128xi32, #tpu.memory_space<vmem>>) target_semaphore(%run_scoped3A : memref<!tpu.dma_semaphore, #tpu.memory_space<semaphore_mem>>)
          %dma_wait3A_40 = tpu.memref_slice %arg3[%mul3A_33] : memref<320000xi32, #tpu.memory_space<hbm>> -> memref<128xi32, #tpu.memory_space<hbm>>
          %dma_wait3A_41 = tpu.memref_slice %arg3[%mul3A_33] : memref<320000xi32, #tpu.memory_space<hbm>> -> memref<128xi32, #tpu.memory_space<hbm>>
          tpu.wait_dma2 semaphore(%run_scoped3A : memref<!tpu.dma_semaphore, #tpu.memory_space<semaphore_mem>>) src(%dma_wait3A_41 : memref<128xi32, #tpu.memory_space<hbm>>) dst(%arg7 : memref<128xi32, #tpu.memory_space<vmem>>)
          tpu.yield
        }) : () -> ()
        %dma_start3A = arith.constant 0 : i32
        %dma_start3A_34 = arith.constant 0 : i32
        %dma_start3A_35 = tpu.memref_slice %arg4[%dma_start3A, %dma_start3A_34] : memref<10000x128xf32, #tpu.memory_space<hbm>> -> memref<10000x128xf32, #tpu.memory_space<hbm>>
        tpu.enqueue_indirect_dma source(%dma_start3A_35 : memref<10000x128xf32, #tpu.memory_space<hbm>>) target(%arg8 : memref<128x128xf32, #tpu.memory_space<vmem>>) offsets(%arg6 : memref<128xi32, #tpu.memory_space<vmem>>) semaphore(%arg10 : memref<!tpu.dma_semaphore, #tpu.memory_space<semaphore_mem>>)
        %dma_wait3A = arith.constant 0 : i32
        %dma_wait3A_36 = arith.constant 0 : i32
        %dma_wait3A_37 = tpu.memref_slice %arg4[%dma_wait3A, %dma_wait3A_36] : memref<10000x128xf32, #tpu.memory_space<hbm>> -> memref<10000x128xf32, #tpu.memory_space<hbm>>
        tpu.wait_indirect_dma semaphore(%arg10 : memref<!tpu.dma_semaphore, #tpu.memory_space<semaphore_mem>>) src(%dma_wait3A_37 : memref<10000x128xf32, #tpu.memory_space<hbm>>) dst(%arg8 : memref<128x128xf32, #tpu.memory_space<vmem>>)
        "tpu.region"() ({
          %run_scoped3A = tpu.sem_alloc : memref<!tpu.dma_semaphore, #tpu.memory_space<semaphore_mem>>
          %dma_start3A_38 = arith.constant 0 : i32
          %dma_start3A_39 = arith.constant 0 : i32
          %dma_start3A_40 = tpu.memref_slice %arg9[%dma_start3A_38, %dma_start3A_39] : memref<10240x128xf32, #tpu.memory_space<vmem_shared>> -> memref<10240x128xf32, #tpu.memory_space<vmem_shared>>
          tpu.enqueue_indirect_dma source(%arg8 : memref<128x128xf32, #tpu.memory_space<vmem>>) target(%dma_start3A_40 : memref<10240x128xf32, #tpu.memory_space<vmem_shared>>) offsets(%arg7 : memref<128xi32, #tpu.memory_space<vmem>>) semaphore(%run_scoped3A : memref<!tpu.dma_semaphore, #tpu.memory_space<semaphore_mem>>) {add = true}
          %dma_wait3A_41 = arith.constant 0 : i32
          %dma_wait3A_42 = arith.constant 0 : i32
          %dma_wait3A_43 = tpu.memref_slice %arg9[%dma_wait3A_41, %dma_wait3A_42] : memref<10240x128xf32, #tpu.memory_space<vmem_shared>> -> memref<10240x128xf32, #tpu.memory_space<vmem_shared>>
          tpu.wait_indirect_dma semaphore(%run_scoped3A : memref<!tpu.dma_semaphore, #tpu.memory_space<semaphore_mem>>) src(%arg8 : memref<128x128xf32, #tpu.memory_space<vmem>>) dst(%dma_wait3A_43 : memref<10240x128xf32, #tpu.memory_space<vmem_shared>>)
          tpu.yield
        }) : () -> ()
      } else {
      }
    }
    %scan3A_24 = arith.constant 79 : i32
    %barrier3A_25 = arith.constant 0 : index
    tpu.barrier barrier_id(%barrier3A_25)
    "tpu.region"() ({
      %run_scoped3A = tpu.sem_alloc : memref<!tpu.dma_semaphore, #tpu.memory_space<semaphore_mem>>
      %dma_start3A = arith.constant 0 : i32
      %dma_start3A_26 = tpu.memref_slice %arg5[%arg0, %mul3A_8, %dma_start3A] : memref<2x10240x128xf32, #tpu.memory_space<hbm>> -> memref<1x640x128xf32, #tpu.memory_space<hbm>>
      %dma_start3A_27 = tpu.memref_squeeze %dma_start3A_26 : memref<1x640x128xf32, #tpu.memory_space<hbm>> -> memref<640x128xf32, #tpu.memory_space<hbm>>
      %dma_start3A_28 = arith.constant 0 : i32
      %dma_start3A_29 = tpu.memref_slice %arg9[%mul3A_8, %dma_start3A_28] : memref<10240x128xf32, #tpu.memory_space<vmem_shared>> -> memref<640x128xf32, #tpu.memory_space<vmem_shared>>
      tpu.enqueue_dma source(%dma_start3A_29 : memref<640x128xf32, #tpu.memory_space<vmem_shared>>) target(%dma_start3A_27 : memref<640x128xf32, #tpu.memory_space<hbm>>) target_semaphore(%run_scoped3A : memref<!tpu.dma_semaphore, #tpu.memory_space<semaphore_mem>>)
      %dma_wait3A = arith.constant 0 : i32
      %dma_wait3A_30 = tpu.memref_slice %arg5[%arg0, %mul3A_8, %dma_wait3A] : memref<2x10240x128xf32, #tpu.memory_space<hbm>> -> memref<1x640x128xf32, #tpu.memory_space<hbm>>
      %dma_wait3A_31 = tpu.memref_squeeze %dma_wait3A_30 : memref<1x640x128xf32, #tpu.memory_space<hbm>> -> memref<640x128xf32, #tpu.memory_space<hbm>>
      %dma_wait3A_32 = arith.constant 0 : i32
      %dma_wait3A_33 = tpu.memref_slice %arg9[%mul3A_8, %dma_wait3A_32] : memref<10240x128xf32, #tpu.memory_space<vmem_shared>> -> memref<640x128xf32, #tpu.memory_space<vmem_shared>>
      tpu.wait_dma2 semaphore(%run_scoped3A : memref<!tpu.dma_semaphore, #tpu.memory_space<semaphore_mem>>) src(%dma_wait3A_33 : memref<640x128xf32, #tpu.memory_space<vmem_shared>>) dst(%dma_wait3A_31 : memref<640x128xf32, #tpu.memory_space<hbm>>)
      tpu.yield
    }) : () -> ()
    return
  }
}

module attributes {stable_mosaic.version = 14 : i64} {
  func.func @_tail_body(%arg0: memref<1xf32, #tpu.memory_space<smem>>, %arg1: memref<10000x128xf32, #tpu.memory_space<vmem>>, %arg2: memref<2x10240x128xf32, #tpu.memory_space<vmem>>, %arg3: memref<1x10000xi32, #tpu.memory_space<vmem>>, %arg4: memref<128x128xf32, #tpu.memory_space<vmem>>, %arg5: memref<1x128xf32, #tpu.memory_space<vmem>>, %arg6: memref<1x128xf32, #tpu.memory_space<vmem>>, %arg7: memref<1x128xf32, #tpu.memory_space<vmem>>, %arg8: memref<1x128xf32, #tpu.memory_space<vmem>>, %arg9: memref<1x128xf32, #tpu.memory_space<vmem>>, %arg10: memref<128x128xf32, #tpu.memory_space<vmem>>, %arg11: memref<1x128xf32, #tpu.memory_space<vmem>>, %arg12: memref<128x128xf32, #tpu.memory_space<vmem>>, %arg13: memref<1x128xf32, #tpu.memory_space<vmem>>, %arg14: memref<64x128xf32, #tpu.memory_space<vmem>>, %arg15: memref<10000x128xf32, #tpu.memory_space<vmem>>) attributes {dimension_semantics = [], scalar_prefetch = 0 : i64, scratch_operands = 0 : i64, tpu.core_type = #tpu.core_type<tc>} {
    %get3A = arith.constant 0 : index
    %get3A_0 = memref.load %arg0[%get3A] : memref<1xf32, #tpu.memory_space<smem>>
    %add3A = arith.constant 1.000000e+00 : f32
    %add3A_1 = arith.addf %add3A, %get3A_0 : f32
    %get3A_2 = arith.constant 0 : index
    %get3A_3 = arith.constant 0 : index
    %get3A_4 = vector.load %arg1[%get3A_2, %get3A_3] : memref<10000x128xf32, #tpu.memory_space<vmem>>, vector<10000x128xf32>
    %mul3A = vector.broadcast %add3A_1 : f32 to vector<10000x128xf32>
    %mul3A_5 = arith.mulf %mul3A, %get3A_4 : vector<10000x128xf32>
    %get3A_6 = arith.constant 0 : index
    %get3A_7 = arith.constant 0 : index
    %get3A_8 = arith.constant 0 : index
    %get3A_9 = vector.load %arg2[%get3A_6, %get3A_7, %get3A_8] : memref<2x10240x128xf32, #tpu.memory_space<vmem>>, vector<1x10000x128xf32>
    %get3A_10 = vector.shape_cast %get3A_9 : vector<1x10000x128xf32> to vector<10000x128xf32>
    %add3A_11 = arith.addf %mul3A_5, %get3A_10 : vector<10000x128xf32>
    %get3A_12 = arith.constant 1 : index
    %get3A_13 = arith.constant 0 : index
    %get3A_14 = arith.constant 0 : index
    %get3A_15 = vector.load %arg2[%get3A_12, %get3A_13, %get3A_14] : memref<2x10240x128xf32, #tpu.memory_space<vmem>>, vector<1x10000x128xf32>
    %get3A_16 = vector.shape_cast %get3A_15 : vector<1x10000x128xf32> to vector<10000x128xf32>
    %add3A_17 = arith.addf %add3A_11, %get3A_16 : vector<10000x128xf32>
    %get3A_18 = arith.constant 0 : index
    %get3A_19 = arith.constant 0 : index
    %get3A_20 = vector.load %arg4[%get3A_18, %get3A_19] : memref<128x128xf32, #tpu.memory_space<vmem>>, vector<128x128xf32>
    %dot_general3A = arith.constant dense<0.000000e+00> : vector<10000x128xf32>
    %dot_general3A_21 = tpu.matmul %add3A_17, %get3A_20, %dot_general3A {dimension_numbers = #tpu.dot_dimension_numbers<[1], [1], [0], [0], [0, 0, 1, 0], [], []>, transpose_lhs_hint = false} : vector<10000x128xf32>, vector<128x128xf32>, vector<10000x128xf32> -> vector<10000x128xf32>
    %get3A_22 = arith.constant 0 : index
    %get3A_23 = arith.constant 0 : index
    %get3A_24 = vector.load %arg5[%get3A_22, %get3A_23] : memref<1x128xf32, #tpu.memory_space<vmem>>, vector<1x128xf32>
    %add3A_25 = vector.broadcast %get3A_24 : vector<1x128xf32> to vector<10000x128xf32>
    %add3A_26 = arith.addf %dot_general3A_21, %add3A_25 : vector<10000x128xf32>
    %max3A = arith.constant 0.000000e+00 : f32
    %max3A_27 = vector.broadcast %max3A : f32 to vector<10000x128xf32>
    %max3A_28 = arith.maximumf %add3A_26, %max3A_27 : vector<10000x128xf32>
    %get3A_29 = arith.constant 0 : index
    %get3A_30 = arith.constant 0 : index
    %get3A_31 = vector.load %arg6[%get3A_29, %get3A_30] : memref<1x128xf32, #tpu.memory_space<vmem>>, vector<1x128xf32>
    %get3A_32 = arith.constant 0 : index
    %get3A_33 = arith.constant 0 : index
    %get3A_34 = vector.load %arg7[%get3A_32, %get3A_33] : memref<1x128xf32, #tpu.memory_space<vmem>>, vector<1x128xf32>
    %reduce_sum3A = arith.constant dense<0.000000e+00> : vector<128xf32>
    %reduce_sum3A_35 = vector.multi_reduction <add>, %max3A_28, %reduce_sum3A [0] : vector<10000x128xf32> to vector<128xf32>
    %div3A = arith.constant 1.000000e+04 : f32
    %div3A_36 = vector.broadcast %div3A : f32 to vector<128xf32>
    %div3A_37 = arith.divf %reduce_sum3A_35, %div3A_36 : vector<128xf32>
    %jit3A = arith.constant 0 : i32
    %reduce_sum3A_38 = arith.constant dense<0.000000e+00> : vector<128xf32>
    %reduce_sum3A_39 = vector.multi_reduction <add>, %max3A_28, %reduce_sum3A_38 [0] : vector<10000x128xf32> to vector<128xf32>
    %broadcast_in_dim3A = vector.shape_cast %reduce_sum3A_39 : vector<128xf32> to vector<1x128xf32>
    %div3A_40 = arith.constant 1.000000e+04 : f32
    %div3A_41 = vector.broadcast %div3A_40 : f32 to vector<1x128xf32>
    %div3A_42 = arith.divf %broadcast_in_dim3A, %div3A_41 : vector<1x128xf32>
    %sub3A = vector.broadcast %div3A_42 : vector<1x128xf32> to vector<10000x128xf32>
    %sub3A_43 = arith.subf %max3A_28, %sub3A : vector<10000x128xf32>
    %square3A = arith.mulf %sub3A_43, %sub3A_43 : vector<10000x128xf32>
    %convert_element_type3A = arith.sitofp %jit3A : i32 to f32
    %sub3A_44 = arith.constant 1.000000e+04 : f32
    %sub3A_45 = arith.subf %sub3A_44, %convert_element_type3A : f32
    %reduce_sum3A_46 = arith.constant dense<0.000000e+00> : vector<128xf32>
    %reduce_sum3A_47 = vector.multi_reduction <add>, %square3A, %reduce_sum3A_46 [0] : vector<10000x128xf32> to vector<128xf32>
    %div3A_48 = vector.broadcast %sub3A_45 : f32 to vector<128xf32>
    %div3A_49 = arith.divf %reduce_sum3A_47, %div3A_48 : vector<128xf32>
    %gt3A = arith.constant 0.000000e+00 : f32
    %gt3A_50 = arith.cmpf ogt, %sub3A_45, %gt3A : f32
    %jit3A_51 = arith.constant 0x7FC00000 : f32
    %broadcast_in_dim3A_52 = vector.broadcast %jit3A_51 : f32 to vector<128xf32>
    %select_n3A = arith.select %gt3A_50, %div3A_49, %broadcast_in_dim3A_52 : vector<128xf32>
    %broadcast_in_dim3A_53 = vector.shape_cast %div3A_37 : vector<128xf32> to vector<1x128xf32>
    %sub3A_54 = vector.broadcast %broadcast_in_dim3A_53 : vector<1x128xf32> to vector<10000x128xf32>
    %sub3A_55 = arith.subf %max3A_28, %sub3A_54 : vector<10000x128xf32>
    %add3A_56 = arith.constant 9.99999974E-6 : f32
    %add3A_57 = vector.broadcast %add3A_56 : f32 to vector<128xf32>
    %add3A_58 = arith.addf %select_n3A, %add3A_57 : vector<128xf32>
    %sqrt3A = math.sqrt %add3A_58 : vector<128xf32>
    %broadcast_in_dim3A_59 = vector.shape_cast %sqrt3A : vector<128xf32> to vector<1x128xf32>
    %div3A_60 = vector.broadcast %broadcast_in_dim3A_59 : vector<1x128xf32> to vector<10000x128xf32>
    %div3A_61 = arith.divf %sub3A_55, %div3A_60 : vector<10000x128xf32>
    %mul3A_62 = vector.broadcast %get3A_31 : vector<1x128xf32> to vector<10000x128xf32>
    %mul3A_63 = arith.mulf %div3A_61, %mul3A_62 : vector<10000x128xf32>
    %add3A_64 = vector.broadcast %get3A_34 : vector<1x128xf32> to vector<10000x128xf32>
    %add3A_65 = arith.addf %mul3A_63, %add3A_64 : vector<10000x128xf32>
    %get3A_66 = arith.constant 0 : index
    %get3A_67 = arith.constant 0 : index
    %get3A_68 = vector.load %arg8[%get3A_66, %get3A_67] : memref<1x128xf32, #tpu.memory_space<vmem>>, vector<1x128xf32>
    %get3A_69 = arith.constant 0 : index
    %get3A_70 = arith.constant 0 : index
    %get3A_71 = vector.load %arg9[%get3A_69, %get3A_70] : memref<1x128xf32, #tpu.memory_space<vmem>>, vector<1x128xf32>
    %reduce_sum3A_72 = arith.constant dense<0.000000e+00> : vector<128xf32>
    %reduce_sum3A_73 = vector.multi_reduction <add>, %add3A_65, %reduce_sum3A_72 [0] : vector<10000x128xf32> to vector<128xf32>
    %div3A_74 = arith.constant 1.000000e+04 : f32
    %div3A_75 = vector.broadcast %div3A_74 : f32 to vector<128xf32>
    %div3A_76 = arith.divf %reduce_sum3A_73, %div3A_75 : vector<128xf32>
    %jit3A_77 = arith.constant 0 : i32
    %reduce_sum3A_78 = arith.constant dense<0.000000e+00> : vector<128xf32>
    %reduce_sum3A_79 = vector.multi_reduction <add>, %add3A_65, %reduce_sum3A_78 [0] : vector<10000x128xf32> to vector<128xf32>
    %broadcast_in_dim3A_80 = vector.shape_cast %reduce_sum3A_79 : vector<128xf32> to vector<1x128xf32>
    %div3A_81 = arith.constant 1.000000e+04 : f32
    %div3A_82 = vector.broadcast %div3A_81 : f32 to vector<1x128xf32>
    %div3A_83 = arith.divf %broadcast_in_dim3A_80, %div3A_82 : vector<1x128xf32>
    %sub3A_84 = vector.broadcast %div3A_83 : vector<1x128xf32> to vector<10000x128xf32>
    %sub3A_85 = arith.subf %add3A_65, %sub3A_84 : vector<10000x128xf32>
    %square3A_86 = arith.mulf %sub3A_85, %sub3A_85 : vector<10000x128xf32>
    %convert_element_type3A_87 = arith.sitofp %jit3A_77 : i32 to f32
    %sub3A_88 = arith.constant 1.000000e+04 : f32
    %sub3A_89 = arith.subf %sub3A_88, %convert_element_type3A_87 : f32
    %reduce_sum3A_90 = arith.constant dense<0.000000e+00> : vector<128xf32>
    %reduce_sum3A_91 = vector.multi_reduction <add>, %square3A_86, %reduce_sum3A_90 [0] : vector<10000x128xf32> to vector<128xf32>
    %div3A_92 = vector.broadcast %sub3A_89 : f32 to vector<128xf32>
    %div3A_93 = arith.divf %reduce_sum3A_91, %div3A_92 : vector<128xf32>
    %gt3A_94 = arith.constant 0.000000e+00 : f32
    %gt3A_95 = arith.cmpf ogt, %sub3A_89, %gt3A_94 : f32
    %jit3A_96 = arith.constant 0x7FC00000 : f32
    %broadcast_in_dim3A_97 = vector.broadcast %jit3A_96 : f32 to vector<128xf32>
    %select_n3A_98 = arith.select %gt3A_95, %div3A_93, %broadcast_in_dim3A_97 : vector<128xf32>
    %broadcast_in_dim3A_99 = vector.shape_cast %div3A_76 : vector<128xf32> to vector<1x128xf32>
    %sub3A_100 = vector.broadcast %broadcast_in_dim3A_99 : vector<1x128xf32> to vector<10000x128xf32>
    %sub3A_101 = arith.subf %add3A_65, %sub3A_100 : vector<10000x128xf32>
    %add3A_102 = arith.constant 9.99999974E-6 : f32
    %add3A_103 = vector.broadcast %add3A_102 : f32 to vector<128xf32>
    %add3A_104 = arith.addf %select_n3A_98, %add3A_103 : vector<128xf32>
    %sqrt3A_105 = math.sqrt %add3A_104 : vector<128xf32>
    %broadcast_in_dim3A_106 = vector.shape_cast %sqrt3A_105 : vector<128xf32> to vector<1x128xf32>
    %div3A_107 = vector.broadcast %broadcast_in_dim3A_106 : vector<1x128xf32> to vector<10000x128xf32>
    %div3A_108 = arith.divf %sub3A_101, %div3A_107 : vector<10000x128xf32>
    %mul3A_109 = vector.broadcast %get3A_68 : vector<1x128xf32> to vector<10000x128xf32>
    %mul3A_110 = arith.mulf %div3A_108, %mul3A_109 : vector<10000x128xf32>
    %add3A_111 = vector.broadcast %get3A_71 : vector<1x128xf32> to vector<10000x128xf32>
    %add3A_112 = arith.addf %mul3A_110, %add3A_111 : vector<10000x128xf32>
    %max3A_113 = arith.constant 0.000000e+00 : f32
    %max3A_114 = vector.broadcast %max3A_113 : f32 to vector<10000x128xf32>
    %max3A_115 = arith.maximumf %add3A_112, %max3A_114 : vector<10000x128xf32>
    %swap3A = arith.constant 0 : index
    %swap3A_116 = arith.constant 0 : index
    %swap3A_117 = vector.load %arg15[%swap3A, %swap3A_116] : memref<10000x128xf32, #tpu.memory_space<vmem>>, vector<10000x128xf32>
    tpu.vector_store %arg15[%swap3A, %swap3A_116], %max3A_115 {strides = array<i32>} : memref<10000x128xf32, #tpu.memory_space<vmem>>, vector<10000x128xf32>,
    %get3A_118 = arith.constant 0 : index
    %get3A_119 = arith.constant 0 : index
    %get3A_120 = vector.load %arg3[%get3A_118, %get3A_119] : memref<1x10000xi32, #tpu.memory_space<vmem>>, vector<1x10000xi32>
    %iota3A = tpu.iota {dimensions = array<i32: 0>} : vector<64x10000xi32>
    %eq3A = vector.broadcast %get3A_120 : vector<1x10000xi32> to vector<64x10000xi32>
    %eq3A_121 = arith.cmpi eq, %iota3A, %eq3A : vector<64x10000xi32>
    %convert_element_type3A_122 = arith.extui %eq3A_121 : vector<64x10000xi1> to vector<64x10000xi32>
    %convert_element_type3A_123 = arith.sitofp %convert_element_type3A_122 : vector<64x10000xi32> to vector<64x10000xf32>
    %dot_general3A_124 = arith.constant dense<0.000000e+00> : vector<64x128xf32>
    %dot_general3A_125 = tpu.matmul %convert_element_type3A_123, %max3A_115, %dot_general3A_124 {dimension_numbers = #tpu.dot_dimension_numbers<[1], [0], [0], [1], [0, 0, 1, 1], [], []>, transpose_lhs_hint = false} : vector<64x10000xf32>, vector<10000x128xf32>, vector<64x128xf32> -> vector<64x128xf32>
    %reduce_sum3A_126 = arith.constant dense<0.000000e+00> : vector<64xf32>
    %reduce_sum3A_127 = vector.multi_reduction <add>, %convert_element_type3A_123, %reduce_sum3A_126 [1] : vector<64x10000xf32> to vector<64xf32>
    %broadcast_in_dim3A_128 = vector.shape_cast %reduce_sum3A_127 : vector<64xf32> to vector<64x1xf32>
    %max3A_129 = arith.constant 1.000000e+00 : f32
    %max3A_130 = vector.broadcast %max3A_129 : f32 to vector<64x1xf32>
    %max3A_131 = arith.maximumf %broadcast_in_dim3A_128, %max3A_130 : vector<64x1xf32>
    %div3A_132 = vector.broadcast %max3A_131 : vector<64x1xf32> to vector<64x128xf32>
    %div3A_133 = arith.divf %dot_general3A_125, %div3A_132 : vector<64x128xf32>
    %get3A_134 = arith.constant 0 : index
    %get3A_135 = arith.constant 0 : index
    %get3A_136 = vector.load %arg10[%get3A_134, %get3A_135] : memref<128x128xf32, #tpu.memory_space<vmem>>, vector<128x128xf32>
    %dot_general3A_137 = arith.constant dense<0.000000e+00> : vector<64x128xf32>
    %dot_general3A_138 = tpu.matmul %div3A_133, %get3A_136, %dot_general3A_137 {dimension_numbers = #tpu.dot_dimension_numbers<[1], [1], [0], [0], [0, 0, 1, 0], [], []>, transpose_lhs_hint = false} : vector<64x128xf32>, vector<128x128xf32>, vector<64x128xf32> -> vector<64x128xf32>
    %get3A_139 = arith.constant 0 : index
    %get3A_140 = arith.constant 0 : index
    %get3A_141 = vector.load %arg11[%get3A_139, %get3A_140] : memref<1x128xf32, #tpu.memory_space<vmem>>, vector<1x128xf32>
    %add3A_142 = vector.broadcast %get3A_141 : vector<1x128xf32> to vector<64x128xf32>
    %add3A_143 = arith.addf %dot_general3A_138, %add3A_142 : vector<64x128xf32>
    %max3A_144 = arith.constant 0.000000e+00 : f32
    %max3A_145 = vector.broadcast %max3A_144 : f32 to vector<64x128xf32>
    %max3A_146 = arith.maximumf %add3A_143, %max3A_145 : vector<64x128xf32>
    %get3A_147 = arith.constant 0 : index
    %get3A_148 = arith.constant 0 : index
    %get3A_149 = vector.load %arg12[%get3A_147, %get3A_148] : memref<128x128xf32, #tpu.memory_space<vmem>>, vector<128x128xf32>
    %dot_general3A_150 = arith.constant dense<0.000000e+00> : vector<64x128xf32>
    %dot_general3A_151 = tpu.matmul %max3A_146, %get3A_149, %dot_general3A_150 {dimension_numbers = #tpu.dot_dimension_numbers<[1], [1], [0], [0], [0, 0, 1, 0], [], []>, transpose_lhs_hint = false} : vector<64x128xf32>, vector<128x128xf32>, vector<64x128xf32> -> vector<64x128xf32>
    %get3A_152 = arith.constant 0 : index
    %get3A_153 = arith.constant 0 : index
    %get3A_154 = vector.load %arg13[%get3A_152, %get3A_153] : memref<1x128xf32, #tpu.memory_space<vmem>>, vector<1x128xf32>
    %add3A_155 = vector.broadcast %get3A_154 : vector<1x128xf32> to vector<64x128xf32>
    %add3A_156 = arith.addf %dot_general3A_151, %add3A_155 : vector<64x128xf32>
    %swap3A_157 = arith.constant 0 : index
    %swap3A_158 = arith.constant 0 : index
    %swap3A_159 = vector.load %arg14[%swap3A_157, %swap3A_158] : memref<64x128xf32, #tpu.memory_space<vmem>>, vector<64x128xf32>
    tpu.vector_store %arg14[%swap3A_157, %swap3A_158], %add3A_156 {strides = array<i32>} : memref<64x128xf32, #tpu.memory_space<vmem>>, vector<64x128xf32>,
    return
  }
}

module attributes {stable_mosaic.version = 14 : i64} {
  func.func @_mlp0_body(%arg0: memref<1xf32, #tpu.memory_space<smem>>, %arg1: memref<10000x128xf32, #tpu.memory_space<vmem>>, %arg2: memref<2x10240x128xf32, #tpu.memory_space<vmem>>, %arg3: memref<128x128xf32, #tpu.memory_space<vmem>>, %arg4: memref<1x128xf32, #tpu.memory_space<vmem>>, %arg5: memref<128x128xf32, #tpu.memory_space<vmem>>, %arg6: memref<1x128xf32, #tpu.memory_space<vmem>>, %arg7: memref<1x128xf32, #tpu.memory_space<vmem>>, %arg8: memref<1x128xf32, #tpu.memory_space<vmem>>, %arg9: memref<1x128xf32, #tpu.memory_space<vmem>>, %arg10: memref<1x128xf32, #tpu.memory_space<vmem>>, %arg11: memref<10000x128xf32, #tpu.memory_space<vmem>>) attributes {dimension_semantics = [], scalar_prefetch = 0 : i64, scratch_operands = 0 : i64, tpu.core_type = #tpu.core_type<tc>} {
    %get3A = arith.constant 0 : index
    %get3A_0 = memref.load %arg0[%get3A] : memref<1xf32, #tpu.memory_space<smem>>
    %add3A = arith.constant 1.000000e+00 : f32
    %add3A_1 = arith.addf %add3A, %get3A_0 : f32
    %get3A_2 = arith.constant 0 : index
    %get3A_3 = arith.constant 0 : index
    %get3A_4 = vector.load %arg1[%get3A_2, %get3A_3] : memref<10000x128xf32, #tpu.memory_space<vmem>>, vector<10000x128xf32>
    %mul3A = vector.broadcast %add3A_1 : f32 to vector<10000x128xf32>
    %mul3A_5 = arith.mulf %mul3A, %get3A_4 : vector<10000x128xf32>
    %get3A_6 = arith.constant 0 : index
    %get3A_7 = arith.constant 0 : index
    %get3A_8 = arith.constant 0 : index
    %get3A_9 = vector.load %arg2[%get3A_6, %get3A_7, %get3A_8] : memref<2x10240x128xf32, #tpu.memory_space<vmem>>, vector<1x10000x128xf32>
    %get3A_10 = vector.shape_cast %get3A_9 : vector<1x10000x128xf32> to vector<10000x128xf32>
    %add3A_11 = arith.addf %mul3A_5, %get3A_10 : vector<10000x128xf32>
    %get3A_12 = arith.constant 1 : index
    %get3A_13 = arith.constant 0 : index
    %get3A_14 = arith.constant 0 : index
    %get3A_15 = vector.load %arg2[%get3A_12, %get3A_13, %get3A_14] : memref<2x10240x128xf32, #tpu.memory_space<vmem>>, vector<1x10000x128xf32>
    %get3A_16 = vector.shape_cast %get3A_15 : vector<1x10000x128xf32> to vector<10000x128xf32>
    %add3A_17 = arith.addf %add3A_11, %get3A_16 : vector<10000x128xf32>
    %get3A_18 = arith.constant 0 : index
    %get3A_19 = arith.constant 0 : index
    %get3A_20 = vector.load %arg3[%get3A_18, %get3A_19] : memref<128x128xf32, #tpu.memory_space<vmem>>, vector<128x128xf32>
    %dot_general3A = arith.constant dense<0.000000e+00> : vector<10000x128xf32>
    %dot_general3A_21 = tpu.matmul %add3A_17, %get3A_20, %dot_general3A {dimension_numbers = #tpu.dot_dimension_numbers<[1], [1], [0], [0], [0, 0, 1, 0], [], []>, transpose_lhs_hint = false} : vector<10000x128xf32>, vector<128x128xf32>, vector<10000x128xf32> -> vector<10000x128xf32>
    %get3A_22 = arith.constant 0 : index
    %get3A_23 = arith.constant 0 : index
    %get3A_24 = vector.load %arg4[%get3A_22, %get3A_23] : memref<1x128xf32, #tpu.memory_space<vmem>>, vector<1x128xf32>
    %add3A_25 = vector.broadcast %get3A_24 : vector<1x128xf32> to vector<10000x128xf32>
    %add3A_26 = arith.addf %dot_general3A_21, %add3A_25 : vector<10000x128xf32>
    %max3A = arith.constant 0.000000e+00 : f32
    %max3A_27 = vector.broadcast %max3A : f32 to vector<10000x128xf32>
    %max3A_28 = arith.maximumf %add3A_26, %max3A_27 : vector<10000x128xf32>
    %get3A_29 = arith.constant 0 : index
    %get3A_30 = arith.constant 0 : index
    %get3A_31 = vector.load %arg5[%get3A_29, %get3A_30] : memref<128x128xf32, #tpu.memory_space<vmem>>, vector<128x128xf32>
    %dot_general3A_32 = arith.constant dense<0.000000e+00> : vector<10000x128xf32>
    %dot_general3A_33 = tpu.matmul %max3A_28, %get3A_31, %dot_general3A_32 {dimension_numbers = #tpu.dot_dimension_numbers<[1], [1], [0], [0], [0, 0, 1, 0], [], []>, transpose_lhs_hint = false} : vector<10000x128xf32>, vector<128x128xf32>, vector<10000x128xf32> -> vector<10000x128xf32>
    %get3A_34 = arith.constant 0 : index
    %get3A_35 = arith.constant 0 : index
    %get3A_36 = vector.load %arg6[%get3A_34, %get3A_35] : memref<1x128xf32, #tpu.memory_space<vmem>>, vector<1x128xf32>
    %add3A_37 = vector.broadcast %get3A_36 : vector<1x128xf32> to vector<10000x128xf32>
    %add3A_38 = arith.addf %dot_general3A_33, %add3A_37 : vector<10000x128xf32>
    %max3A_39 = arith.constant 0.000000e+00 : f32
    %max3A_40 = vector.broadcast %max3A_39 : f32 to vector<10000x128xf32>
    %max3A_41 = arith.maximumf %add3A_38, %max3A_40 : vector<10000x128xf32>
    %get3A_42 = arith.constant 0 : index
    %get3A_43 = arith.constant 0 : index
    %get3A_44 = vector.load %arg7[%get3A_42, %get3A_43] : memref<1x128xf32, #tpu.memory_space<vmem>>, vector<1x128xf32>
    %get3A_45 = arith.constant 0 : index
    %get3A_46 = arith.constant 0 : index
    %get3A_47 = vector.load %arg8[%get3A_45, %get3A_46] : memref<1x128xf32, #tpu.memory_space<vmem>>, vector<1x128xf32>
    %reduce_sum3A = arith.constant dense<0.000000e+00> : vector<128xf32>
    %reduce_sum3A_48 = vector.multi_reduction <add>, %max3A_41, %reduce_sum3A [0] : vector<10000x128xf32> to vector<128xf32>
    %div3A = arith.constant 1.000000e+04 : f32
    %div3A_49 = vector.broadcast %div3A : f32 to vector<128xf32>
    %div3A_50 = arith.divf %reduce_sum3A_48, %div3A_49 : vector<128xf32>
    %jit3A = arith.constant 0 : i32
    %reduce_sum3A_51 = arith.constant dense<0.000000e+00> : vector<128xf32>
    %reduce_sum3A_52 = vector.multi_reduction <add>, %max3A_41, %reduce_sum3A_51 [0] : vector<10000x128xf32> to vector<128xf32>
    %broadcast_in_dim3A = vector.shape_cast %reduce_sum3A_52 : vector<128xf32> to vector<1x128xf32>
    %div3A_53 = arith.constant 1.000000e+04 : f32
    %div3A_54 = vector.broadcast %div3A_53 : f32 to vector<1x128xf32>
    %div3A_55 = arith.divf %broadcast_in_dim3A, %div3A_54 : vector<1x128xf32>
    %sub3A = vector.broadcast %div3A_55 : vector<1x128xf32> to vector<10000x128xf32>
    %sub3A_56 = arith.subf %max3A_41, %sub3A : vector<10000x128xf32>
    %square3A = arith.mulf %sub3A_56, %sub3A_56 : vector<10000x128xf32>
    %convert_element_type3A = arith.sitofp %jit3A : i32 to f32
    %sub3A_57 = arith.constant 1.000000e+04 : f32
    %sub3A_58 = arith.subf %sub3A_57, %convert_element_type3A : f32
    %reduce_sum3A_59 = arith.constant dense<0.000000e+00> : vector<128xf32>
    %reduce_sum3A_60 = vector.multi_reduction <add>, %square3A, %reduce_sum3A_59 [0] : vector<10000x128xf32> to vector<128xf32>
    %div3A_61 = vector.broadcast %sub3A_58 : f32 to vector<128xf32>
    %div3A_62 = arith.divf %reduce_sum3A_60, %div3A_61 : vector<128xf32>
    %gt3A = arith.constant 0.000000e+00 : f32
    %gt3A_63 = arith.cmpf ogt, %sub3A_58, %gt3A : f32
    %jit3A_64 = arith.constant 0x7FC00000 : f32
    %broadcast_in_dim3A_65 = vector.broadcast %jit3A_64 : f32 to vector<128xf32>
    %select_n3A = arith.select %gt3A_63, %div3A_62, %broadcast_in_dim3A_65 : vector<128xf32>
    %broadcast_in_dim3A_66 = vector.shape_cast %div3A_50 : vector<128xf32> to vector<1x128xf32>
    %sub3A_67 = vector.broadcast %broadcast_in_dim3A_66 : vector<1x128xf32> to vector<10000x128xf32>
    %sub3A_68 = arith.subf %max3A_41, %sub3A_67 : vector<10000x128xf32>
    %add3A_69 = arith.constant 9.99999974E-6 : f32
    %add3A_70 = vector.broadcast %add3A_69 : f32 to vector<128xf32>
    %add3A_71 = arith.addf %select_n3A, %add3A_70 : vector<128xf32>
    %sqrt3A = math.sqrt %add3A_71 : vector<128xf32>
    %broadcast_in_dim3A_72 = vector.shape_cast %sqrt3A : vector<128xf32> to vector<1x128xf32>
    %div3A_73 = vector.broadcast %broadcast_in_dim3A_72 : vector<1x128xf32> to vector<10000x128xf32>
    %div3A_74 = arith.divf %sub3A_68, %div3A_73 : vector<10000x128xf32>
    %mul3A_75 = vector.broadcast %get3A_44 : vector<1x128xf32> to vector<10000x128xf32>
    %mul3A_76 = arith.mulf %div3A_74, %mul3A_75 : vector<10000x128xf32>
    %add3A_77 = vector.broadcast %get3A_47 : vector<1x128xf32> to vector<10000x128xf32>
    %add3A_78 = arith.addf %mul3A_76, %add3A_77 : vector<10000x128xf32>
    %get3A_79 = arith.constant 0 : index
    %get3A_80 = arith.constant 0 : index
    %get3A_81 = vector.load %arg9[%get3A_79, %get3A_80] : memref<1x128xf32, #tpu.memory_space<vmem>>, vector<1x128xf32>
    %get3A_82 = arith.constant 0 : index
    %get3A_83 = arith.constant 0 : index
    %get3A_84 = vector.load %arg10[%get3A_82, %get3A_83] : memref<1x128xf32, #tpu.memory_space<vmem>>, vector<1x128xf32>
    %reduce_sum3A_85 = arith.constant dense<0.000000e+00> : vector<128xf32>
    %reduce_sum3A_86 = vector.multi_reduction <add>, %add3A_78, %reduce_sum3A_85 [0] : vector<10000x128xf32> to vector<128xf32>
    %div3A_87 = arith.constant 1.000000e+04 : f32
    %div3A_88 = vector.broadcast %div3A_87 : f32 to vector<128xf32>
    %div3A_89 = arith.divf %reduce_sum3A_86, %div3A_88 : vector<128xf32>
    %jit3A_90 = arith.constant 0 : i32
    %reduce_sum3A_91 = arith.constant dense<0.000000e+00> : vector<128xf32>
    %reduce_sum3A_92 = vector.multi_reduction <add>, %add3A_78, %reduce_sum3A_91 [0] : vector<10000x128xf32> to vector<128xf32>
    %broadcast_in_dim3A_93 = vector.shape_cast %reduce_sum3A_92 : vector<128xf32> to vector<1x128xf32>
    %div3A_94 = arith.constant 1.000000e+04 : f32
    %div3A_95 = vector.broadcast %div3A_94 : f32 to vector<1x128xf32>
    %div3A_96 = arith.divf %broadcast_in_dim3A_93, %div3A_95 : vector<1x128xf32>
    %sub3A_97 = vector.broadcast %div3A_96 : vector<1x128xf32> to vector<10000x128xf32>
    %sub3A_98 = arith.subf %add3A_78, %sub3A_97 : vector<10000x128xf32>
    %square3A_99 = arith.mulf %sub3A_98, %sub3A_98 : vector<10000x128xf32>
    %convert_element_type3A_100 = arith.sitofp %jit3A_90 : i32 to f32
    %sub3A_101 = arith.constant 1.000000e+04 : f32
    %sub3A_102 = arith.subf %sub3A_101, %convert_element_type3A_100 : f32
    %reduce_sum3A_103 = arith.constant dense<0.000000e+00> : vector<128xf32>
    %reduce_sum3A_104 = vector.multi_reduction <add>, %square3A_99, %reduce_sum3A_103 [0] : vector<10000x128xf32> to vector<128xf32>
    %div3A_105 = vector.broadcast %sub3A_102 : f32 to vector<128xf32>
    %div3A_106 = arith.divf %reduce_sum3A_104, %div3A_105 : vector<128xf32>
    %gt3A_107 = arith.constant 0.000000e+00 : f32
    %gt3A_108 = arith.cmpf ogt, %sub3A_102, %gt3A_107 : f32
    %jit3A_109 = arith.constant 0x7FC00000 : f32
    %broadcast_in_dim3A_110 = vector.broadcast %jit3A_109 : f32 to vector<128xf32>
    %select_n3A_111 = arith.select %gt3A_108, %div3A_106, %broadcast_in_dim3A_110 : vector<128xf32>
    %broadcast_in_dim3A_112 = vector.shape_cast %div3A_89 : vector<128xf32> to vector<1x128xf32>
    %sub3A_113 = vector.broadcast %broadcast_in_dim3A_112 : vector<1x128xf32> to vector<10000x128xf32>
    %sub3A_114 = arith.subf %add3A_78, %sub3A_113 : vector<10000x128xf32>
    %add3A_115 = arith.constant 9.99999974E-6 : f32
    %add3A_116 = vector.broadcast %add3A_115 : f32 to vector<128xf32>
    %add3A_117 = arith.addf %select_n3A_111, %add3A_116 : vector<128xf32>
    %sqrt3A_118 = math.sqrt %add3A_117 : vector<128xf32>
    %broadcast_in_dim3A_119 = vector.shape_cast %sqrt3A_118 : vector<128xf32> to vector<1x128xf32>
    %div3A_120 = vector.broadcast %broadcast_in_dim3A_119 : vector<1x128xf32> to vector<10000x128xf32>
    %div3A_121 = arith.divf %sub3A_114, %div3A_120 : vector<10000x128xf32>
    %mul3A_122 = vector.broadcast %get3A_81 : vector<1x128xf32> to vector<10000x128xf32>
    %mul3A_123 = arith.mulf %div3A_121, %mul3A_122 : vector<10000x128xf32>
    %add3A_124 = vector.broadcast %get3A_84 : vector<1x128xf32> to vector<10000x128xf32>
    %add3A_125 = arith.addf %mul3A_123, %add3A_124 : vector<10000x128xf32>
    %max3A_126 = arith.constant 0.000000e+00 : f32
    %max3A_127 = vector.broadcast %max3A_126 : f32 to vector<10000x128xf32>
    %max3A_128 = arith.maximumf %add3A_125, %max3A_127 : vector<10000x128xf32>
    %swap3A = arith.constant 0 : index
    %swap3A_129 = arith.constant 0 : index
    %swap3A_130 = vector.load %arg11[%swap3A, %swap3A_129] : memref<10000x128xf32, #tpu.memory_space<vmem>>, vector<10000x128xf32>
    tpu.vector_store %arg11[%swap3A, %swap3A_129], %max3A_128 {strides = array<i32>} : memref<10000x128xf32, #tpu.memory_space<vmem>>, vector<10000x128xf32>,
    return
  }
}

</mosaic_0001>

<sc_bundles>
// kernel: kernel.6.cloned.1.call-start
scs
__scs_entry_jumppad:
0x0: {  	(pc) =	sbr.rel $0x88, $3  }
0x1: {  	(tag) =	ssettag $0x0;
	lr =	simm.s32 $0x1  }
0x2: {  	[smem:$0x3F8A] =	sst lr;
	_ =	strace $0xD0000000  }
0x3: {  	_ = 	snop  }
0x4: {  	_ = 	snop  }
0x5: {  	_ = 	snop  }
0x6: {  	_ = 	snop  }
0x7: {  	_ = 	snop  }
__scs_overlays_trampoline_lowered:
0x8: {  	[smem:$0x3F99] =	sst s0  }
0x9: {  	[smem:$0x3F9A] =	sst s1  }
0xa: {  	[smem:$0x3F9B] =	sst s2  }
0xb: {  	[smem:$0x3F9C] =	sst s3  }
0xc: {  	[smem:$0x3F9D] =	sst s4  }
0xd: {  	[smem:$0x3F9E] =	sst s5  }
0xe: {  	[smem:$0x3F9F] =	sst s6  }
0xf: {  	[smem:$0x3FA0] =	sst s7  }
0x10: {  	[smem:$0x3FA1] =	sst s8  }
0x11: {  	[smem:$0x3FA2] =	sst s9;
	s0 =	simm.s32 @!p0 $0x0  }
0x12: {  	s1 =	sld [smem:$0x3F88];
	s0 =	simm.s32 @p0 $0x1  }
0x13: {  	[smem:$0x3FA3] =	sst s0;
	s0 =	simm.s32 @!p1 $0x0  }
0x14: {  	s2 =	sld [smem:$0x3F87];
	s0 =	simm.s32 @p1 $0x1  }
0x15: {  	[smem:$0x3FA4] =	sst s0;
	s0 =	simm.s32 @!p2 $0x0  }
0x16: {  	s3 =	sld [smem:$0x3FDB];
	s0 =	simm.s32 @p2 $0x1  }
0x17: {  	s4 =	simm.s32 $0x1BF5;
	[smem:$0x3FA6] =	sst s0  }
0x18: {  	s0 =	sld [smem:$0x3F89];
	_ =	swait.ge [sflag:s4], $0x0  }
0x19: {  	s7 =	sld [smem:$0x3F8A]  }
0x1a: {  	s8 =	sadd.s32 $0xFFFFE003, lr  }
0x1b: {  	s9 =	sadd.s32 $0xFFFFFEF7, lr;
	s5 =	simm.s32 $0xFFFFFFFF;
	p2 =	slt.u32 s8, $0xFFFFF086  }
0x1c: {  	p1 =	slt.u32 s9, $0xF7A;
	s5 =	simm.s32 @!p2 $0x0  }
0x1d: {  	s5 =	simm.s32 @p1 $0x1;
	p0 =	seq.s32 s7, s2  }
0x1e: {  	s7 =	smul.u32 @!p0 $0xF7A, s2;
	p2 =	seq.s32 @!p0 s5, $0x0  }
0x1f: {  	s9 =	smul.u32 $0xF7A, s1;
	s8 =	simm.s32 @!p0 $0x1BF5;
	p2 =	por !p2, p0  }
0x20: {  	[sflag:s8] =	ssyncset.s32 @!p0 $0xFFFFF086;
	s6 =	sadd.s32 @!p0 s3, s7;
	s7 =	simm.s32 @!p0 $0x108  }
0x21: {  	s3 =	sadd.s32 s3, s9;
	s6 =	sadd.s32 @!p0 $0x88, s6;
	s7 =	simm.s32 @p2 $0x1082  }
0x22: {  	[simem:s7], [sflag:s8] =	dma.local @!p0 [hbm:s6], $0xF7A  }
0x23: {  	s9 =	sor.u32 $0xD0000000, s2;
	s6 =	simm.s32 $0x108;
	_ =	swait.ge @!p0 [sflag:s8], $0x0  }
0x24: {  	s3 =	sadd.s32 $0x88, s3;
	s6 =	simm.s32 @!p1 $0x1082;
	[sflag:s4] =	ssyncset.s32 $0xFFFFF086  }
0x25: {  	[simem:s6], [sflag:s4] =	dma.local [hbm:s3], $0xF7A  }
0x26: {  	[smem:$0x3F8A] =	sst s1;
	(tag) =	ssettag s2;
	_ =	strace s9  }
0x27: {  	s1 =	sld [smem:$0x3F9A]  }
0x28: {  	s2 =	sld [smem:$0x3F9B]  }
0x29: {  	s4 =	sld [smem:$0x3F9D]  }
0x2a: {  	p0 =	seq.s32 s5, $0x0;
	s5 =	sld [smem:$0x3F9E]  }
0x2b: {  	s6 =	sld [smem:$0x3F9F]  }
0x2c: {  	s7 =	sld [smem:$0x3FA0]  }
0x2d: {  	s3 =	simm.s32 $0x108;
	s8 =	sld [smem:$0x3FA1]  }
0x2e: {  	s3 =	simm.s32 @!p0 $0x1082;
	s9 =	sld [smem:$0x3FA2]  }
0x2f: {  	lr =	sadd.s32 s0, s3;
	s0 =	sld [smem:$0x3F99]  }
0x30: {  	s3 =	sld [smem:$0x3F9C]  }
0x31: {  	[smem:$0x3FA5] =	sst s10  }
0x32: {  	s10 =	sld [smem:$0x3FA3];
	_ =	sdelay $0x3  }
0x33: {  	p0 =	seq.s32 s10, $0x1;
	s10 =	sld [smem:$0x3FA5];
	_ =	sdelay $0x3  }
0x34: {  	[smem:$0x3FA5] =	sst s10  }
0x35: {  	s10 =	sld [smem:$0x3FA4];
	_ =	sdelay $0x3  }
0x36: {  	p1 =	seq.s32 s10, $0x1;
	s10 =	sld [smem:$0x3FA5];
	_ =	sdelay $0x3  }
0x37: {  	[smem:$0x3FA5] =	sst s10  }
0x38: {  	s10 =	sld [smem:$0x3FA6]  }
0x39: {  	_ = 	snop;
	(pc) =	sbr.ind lr, $3  }
0x3a: {  	_ = 	snop  }
0x3b: {  	_ = 	snop  }
0x3c: {  	p2 =	seq.s32 s10, $0x1;
	s10 =	sld [smem:$0x3FA5]  }
0x3d: {  	_ =	shalt  }
0x3e: {  	_ =	shalt  }
0x3f: {  	_ =	shalt  }
0x40: {  	_ =	shalt  }
0x41: {  	_ =	shalt  }
0x42: {  	_ =	shalt  }
0x43: {  	_ =	shalt  }
0x44: {  	_ =	shalt  }
0x45: {  	_ =	shalt  }
0x46: {  	_ =	shalt  }
0x47: {  	_ =	shalt  }
0x48: {  	_ =	shalt  }
0x49: {  	_ =	shalt  }
0x4a: {  	_ =	shalt  }
0x4b: {  	_ =	shalt  }
0x4c: {  	_ =	shalt  }
0x4d: {  	_ =	shalt  }
0x4e: {  	_ =	shalt  }
0x4f: {  	_ =	shalt  }
0x50: {  	_ =	shalt  }
0x51: {  	_ =	shalt  }
0x52: {  	_ =	shalt  }
0x53: {  	_ =	shalt  }
0x54: {  	_ =	shalt  }
0x55: {  	_ =	shalt  }
0x56: {  	_ =	shalt  }
0x57: {  	_ =	shalt  }
0x58: {  	_ =	shalt  }
0x59: {  	_ =	shalt  }
0x5a: {  	_ =	shalt  }
0x5b: {  	_ =	shalt  }
0x5c: {  	_ =	shalt  }
0x5d: {  	_ =	shalt  }
0x5e: {  	_ =	shalt  }
0x5f: {  	_ =	shalt  }
0x60: {  	_ =	shalt  }
0x61: {  	_ =	shalt  }
0x62: {  	_ =	shalt  }
0x63: {  	_ =	shalt  }
0x64: {  	_ =	shalt  }
0x65: {  	_ =	shalt  }
0x66: {  	_ =	shalt  }
0x67: {  	_ =	shalt  }
0x68: {  	_ =	shalt  }
0x69: {  	_ =	shalt  }
0x6a: {  	_ =	shalt  }
0x6b: {  	_ =	shalt  }
0x6c: {  	_ =	shalt  }
0x6d: {  	_ =	shalt  }
0x6e: {  	_ =	shalt  }
0x6f: {  	_ =	shalt  }
0x70: {  	_ =	shalt  }
0x71: {  	_ =	shalt  }
0x72: {  	_ =	shalt  }
0x73: {  	_ =	shalt  }
0x74: {  	_ =	shalt  }
0x75: {  	_ =	shalt  }
0x76: {  	_ =	shalt  }
0x77: {  	_ =	shalt  }
0x78: {  	_ =	shalt  }
0x79: {  	_ =	shalt  }
0x7a: {  	_ =	shalt  }
0x7b: {  	_ =	shalt  }
0x7c: {  	_ =	shalt  }
0x7d: {  	_ =	shalt  }
0x7e: {  	_ =	shalt  }
0x7f: {  	_ =	shalt  }
0x80: {  	_ =	shalt  }
0x81: {  	_ =	shalt  }
0x82: {  	_ =	shalt  }
0x83: {  	_ =	shalt  }
0x84: {  	_ =	shalt  }
0x85: {  	_ =	shalt  }
0x86: {  	_ =	shalt  }
0x87: {  	_ =	shalt  }
.Lfunc_end0:
.L_simem_size_0:
called_computation_lowered:
.L_overlay_start_0:
0x88: {  	s2 =	sld [smem:$0x3FD9]  }
0x89: {  	s3 =	sld [smem:$0x3FFE];
	_ =	sdelay $0x1  }
0x8a: {  	s1 =	srdreg.scid  }
0x8b: {  	s0 =	sand.u32 $0x1, s1  }
0x8c: {  	s17 =	sshll.u32 s0, $0xA;
	s2 =	sadd.s32 s3, s2  }
0x8d: {  	s2 =	sadd.s32 s2, s17  }
0x8e: {  	[smem:$0x3FB1] =	sst s2  }
0x8f: {  	_ = 	snop  }
0x90: {  	s2 =	sld [smem:$0x3FC9];
	(tm) =	ssettm $0x1  }
0x91: {  	s18 =	sld [smem:$0x3FFB];
	_ =	sdelay $0x3  }
0x92: {  	_ =	strace s18  }
0x93: {  	s3 =	sld [smem:$0x3FFC];
	_ =	sdelay $0x3  }
0x94: {  	_ =	strace s3  }
0x95: {  	s3 =	sld [smem:$0x3FFD];
	_ =	sdelay $0x3  }
0x96: {  	_ =	strace s3  }
0x97: {  	_ =	strace $0x8FFFFFFF  }
0x98: {  	s19 =	sld [smem:$0x3FDB];
	_ =	sdelay $0x1  }
0x99: {  	s4 =	simm.s32 $_scs_section_size  }
0x9a: {  	s5 =	simm.s32 $_size__tile_overlayer_lowered;
	s6 =	simm.s32 $_tile_overlayer_lowered  }
0x9b: {  	s22 =	simm.s32 $0x1BFF;
	s21 =	sshll.u32 s6, $0x1;
	s3 =	sadd.s32 s4, s19  }
0x9c: {  	s7 =	simm.s32 $0x0;
	s20 =	sshll.u32 s5, $0x1;
	s5 =	sadd.s32 s21, s3  }
0x9d: {  	[timem:s7], [sflag:s22] =	dma.local [hbm:s5], s20  }
0x9e: {  	_ =	swait.ge [sflag:s22], s20  }
0x9f: {  	s4 =	ssub.s32 $0x0, s20;
	[sflag:s22] =	ssyncset.done $0x0  }
0xa0: {  	[sflag:s22] =	ssyncadd.s32 s4;
	_ =	sdelay $0x1  }
0xa1: {  	s23 =	simm.s32 $0x1B8B  }
0xa2: {  	_ =	swait.ge [sflag:s23], $0x1  }
0xa3: {  	[sflag:s23] =	ssyncset.done $0x0  }
0xa4: {  	s25 =	simm.s32 $0x1B8E;
	s24 =	sld [smem:$0x3FFE];
	[sflag:s23] =	ssyncadd.s32 $0xFFFFFFFF  }
0xa5: {  	s26 =	simm.s32 $execute0_lowered;
	[smem:$0x3FD2] =	sst s25  }
0xa6: {  	s5 =	sshll.u32 s26, $0x1;
	_ =	strace $0x80000046;
	[dreg:$0x1] =	wrdreg $0xFFFFFFFF  }
0xa7: {  	s28 =	simm.s32 $_size_execute0_lowered;
	s3 =	sadd.s32 s3, s5;
	[dreg:$0x0] =	wrdreg $0x0  }
0xa8: {  	s5 =	sshll.u32 s28, $0x1;
	[dreg:$0x2] =	wrdreg s3  }
0xa9: {  	[dreg:$0x3] =	wrdreg s5  }
0xaa: {  	[dreg:$0x4] =	wrdreg $0xC0  }
0xab: {  	_ =	task [dreg:s7], $0x5FFFF  }
0xac: {  	[dreg:$0x1] =	wrdreg $0xFFFFFFFF  }
0xad: {  	[dreg:$0x0] =	wrdreg $0x60  }
0xae: {  	[dreg:$0x2] =	wrdreg s24  }
0xaf: {  	[dreg:$0x3] =	wrdreg s2  }
0xb0: {  	[dreg:$0x4] =	wrdreg $0x41000  }
0xb1: {  	[dreg:$0x5] =	wrdreg $0x9  }
0xb2: {  	_ =	task.clear_ibuf [dreg:s7], $0x6FFFF;
	_ =	strace $0x90000046  }
0xb3: {  	s29 =	simm.s32 $0x9;
	_ =	strace $0x80000048  }
0xb4: {  	_ =	swait.ge [sflag:s29], $0x1  }
0xb5: {  	[sflag:s29] =	ssyncadd.s32 $0xFFFFFFFF  }
0xb6: {  	_ =	strace $0x90000048  }
0xb7: {  	_ =	sfence  }
0xb8: {  	s30 =	sld [smem:$0x0];
	_ =	sdelay $0x2  }
0xb9: {  	s31 =	sshll.u32 s1, $0xD;
	s1 =	sshrl.u32 s1, $0x2  }
0xba: {  	s3 =	sand.u32 $0x4000, s31;
	s1 =	sadd.s32 s1, s30  }
0xbb: {  	s0 =	sor.u32 s3, s0;
	s1 =	sshll.u32 s1, $0x11  }
0xbc: {  	s0 =	sor.u32 s1, s0  }
0xbd: {  	s0 =	sadd.s32 $0x8F2B, s0  }
0xbe: {  	[sflag:s0] =	ssyncadd.remote.s32 $0x1  }
0xbf: {  	_ =	sfence.sel $0xFFFF  }
0xc0: {  	[dreg:$0x0] =	wrdreg $0xFFFFFFFF;
	(pc) =	sbr.abs _section_cstart, $3  }
0xc1: {  	[dreg:$0x1] =	wrdreg $0xFFFFFFFF  }
0xc2: {  	_ =	task.clear_ibuf [dreg:s7], $0x2FFFF;
	_ =	strace $0x9FFFFFFF  }
0xc3: {  	(tm) =	ssettm $0x7FFFFFFF  }
tec
execute0_lowered:
.L_overlay_start_1:
0x0: {  	(tag) =	ssettag $0x1  }
0x1: {  	s5 =	rddreg [dreg:$0x0]  }
0x2: {  	s1 =	rddreg [dreg:$0x1]  }
0x3: {  	s2 =	rddreg [dreg:$0x2]  }
0x4: {  	s3 =	srdreg.scid;
	s0 =	rddreg [dreg:$0x3]  }
0x5: {  	s4 =	simm.s32 $0x0;
	s11 =	sand.u32 $0x1, s3;
	s3 =	stileid.u32  }
0x6: {  	s16 =	simm.s32 $0x2;
	[smem:$0x7FF] =	sst s4;
	s6 =	smul.u32 $0x140000, s11  }
0x7: {  	s7 =	smul.u32 $0x14000, s3;
	_ =	strace $0x80000047;
	s8 =	sshll.u32 s3, $0x5  }
0x8: {  	s9 =	smul.u32 $0x50000, s3;
	s29 =	ssub.s32 $0x2, s11;
	s15 =	sshll.u32 s11, $0x4  }
0x9: {  	s17 =	sshll.u32 s3, $0x6;
	s13 =	sadd.s32 s8, s5;
	s30 =	sshrl.u32 s29, $0x1  }
0xa: {  	s17 =	sor.u32 $0x1C02, s17;
	s6 =	sadd.s32 s7, s6;
	s9 =	sshrl.u32 s9, $0x2  }
0xb: {  	s14 =	ssub.s32 s29, s30;
	s31 =	sadd.s32 s15, s13;
	s6 =	sshrl.u32 s6, $0x3  }
0xc: {  	s15 =	simm.s32 $0x100;
	s12 =	sadd.s32 s6, s5;
	s5 =	sadd.s32 s9, s2  }
0xd: {  	s13 =	sadd.s32 $0x3600, s31;
	s6 =	sshll.u32 s3, $0x1;
	s7 =	sadd.s32 $0x4000, s5  }
0xe: {  	s8 =	sadd.s32 $0x8000, s5;
	s9 =	sadd.s32 $0xC000, s5;
	s10 =	sadd.s32 $0x10000, s5  }
0xf: {  	v0 =	vimm.f32 $0.0e+00;
	s11 =	sadd.s32 $0x17200, s12;
	s12 =	smax.u32 s14, $0x1;
	s14 =	sadd.s32 $0xD400, s31  }
.LBB2_1:
0x10: {  	s18 =	simm.s32 $0x0;
	s19 =	simm.s32 $0x200  }
.LBB2_2:
0x11: {  	p0 =	sne.s32 s19, $0xFE00;
	[tilespmem:s18+$0x170] =	vst v0  }
0x12: {  	[tilespmem:s18+$0x100] =	vst v0  }
0x13: {  	[tilespmem:s18+$0x110] =	vst v0  }
.Ltmp0:
0x14: {  	[tilespmem:s18+$0x120] =	vst v0;
	(pc) =	sbr.rel @p0 .LBB2_2-.Ltmp0, $4  }
0x15: {  	[tilespmem:s18+$0x130] =	vst v0  }
0x16: {  	[tilespmem:s18+$0x140] =	vst v0  }
0x17: {  	[tilespmem:s18+$0x150] =	vst v0  }
0x18: {  	[tilespmem:s18+$0x160] =	vst v0;
	s18 =	sshra.s32 s19, $0x2;
	s19 =	sadd.s32 $0x200, s19  }
0x19: {  	[tilespmem:s18+$0x170] =	vst v0  }
0x1a: {  	[tilespmem:s18+$0x100] =	vst v0  }
0x1b: {  	[tilespmem:s18+$0x110] =	vst v0  }
0x1c: {  	[tilespmem:s18+$0x120] =	vst v0  }
0x1d: {  	[tilespmem:s18+$0x130] =	vst v0  }
0x1e: {  	[tilespmem:s18+$0x140] =	vst v0  }
0x1f: {  	[tilespmem:s18+$0x150] =	vst v0  }
0x20: {  	[tilespmem:s18+$0x160] =	vst v0  }
0x21: {  	[spmem:s5] =	stream.linear.scatter [tilespmem:s15], [sflag:$0x2], $0x4000, $0x38;
	[tilespmem:$0x18100] =	vst v63  }
0x22: {  	_ =	swait.ge [sflag:s16], $0x4000  }
0x23: {  	[sflag:s16] =	ssyncset.done $0x0  }
0x24: {  	[sflag:s16] =	ssyncadd.s32 $0xFFFFC000  }
0x25: {  	[spmem:s7] =	stream.linear.scatter [tilespmem:s15], [sflag:$0x2], $0x4000, $0x38;
	[tilespmem:$0x18100] =	vst v63  }
0x26: {  	_ =	swait.ge [sflag:s16], $0x4000  }
0x27: {  	[sflag:s16] =	ssyncset.done $0x0  }
0x28: {  	[sflag:s16] =	ssyncadd.s32 $0xFFFFC000  }
0x29: {  	[spmem:s8] =	stream.linear.scatter [tilespmem:s15], [sflag:$0x2], $0x4000, $0x38;
	[tilespmem:$0x18100] =	vst v63  }
0x2a: {  	_ =	swait.ge [sflag:s16], $0x4000  }
0x2b: {  	[sflag:s16] =	ssyncset.done $0x0  }
0x2c: {  	[sflag:s16] =	ssyncadd.s32 $0xFFFFC000  }
0x2d: {  	[spmem:s9] =	stream.linear.scatter [tilespmem:s15], [sflag:$0x2], $0x4000, $0x38;
	[tilespmem:$0x18100] =	vst v63  }
0x2e: {  	_ =	swait.ge [sflag:s16], $0x4000  }
0x2f: {  	[sflag:s16] =	ssyncset.done $0x0  }
0x30: {  	[sflag:s16] =	ssyncadd.s32 $0xFFFFC000  }
0x31: {  	[spmem:s10] =	stream.linear.scatter [tilespmem:s15], [sflag:$0x2], $0x4000, $0x38;
	[tilespmem:$0x18100] =	vst v63  }
0x32: {  	_ =	swait.ge [sflag:s16], $0x4000  }
0x33: {  	p0 =	sgt.u32 s6, $0x9C3;
	[sflag:s16] =	ssyncset.done $0x0  }
0x34: {  	s18 =	sadd.s32 @!p0 $0x0, s14;
	[sflag:s16] =	ssyncadd.s32 $0xFFFFC000  }
0x35: {  	s19 =	simm.s32 @!p0 $0x0;
	s20 =	simm.s32 @!p0 $0x3;
	[bflag:$0x0] =	sbarrier.arrive $0xFFFF  }
0x36: {  	[tilespmem:s19], [sflag:$0x3] =	stream.linear.gather @!p0 [hbm4b:s18+s19], $0x80, $0x38;
	[tilespmem:$0x18100] =	vst v63  }
0x37: {  	_ =	swait.ge @!p0 [sflag:s20], $0x80;
	p0 =	por p0, p0  }
0x38: {  	[sflag:s20] =	ssyncset.done @!p0 $0x0  }
0x39: {  	s18 =	sadd.s32 @!p0 $0x0, s13;
	s21 =	simm.s32 @!p0 $0x80;
	[sflag:s20] =	ssyncadd.s32 @!p0 $0xFFFFFF80  }
0x3a: {  	[tilespmem:s21], [sflag:$0x3] =	stream.linear.gather @!p0 [hbm4b:s18+s19], $0x80, $0x38;
	[tilespmem:$0x18100] =	vst v63  }
0x3b: {  	_ =	swait.ge @!p0 [sflag:s20], $0x80  }
0x3c: {  	[sflag:s20] =	ssyncset.done @!p0 $0x0  }
0x3d: {  	s18 =	simm.s32 @!p0 $0x100;
	[sflag:s20] =	ssyncadd.s32 @!p0 $0xFFFFFF80;
	s20 =	simm.s32 @!p0 $0x1  }
0x3e: {  	[tilespmem:s18], [sflag:$0x1] =	stream.indirect.gather @!p0 [hbm4b:s1+s21], $0x80, s19, s21, $0xb8;
	[tilespmem:$0x18100] =	vst v63  }
0x3f: {  	_ =	swait.ge @!p0 [sflag:s20], $0x4000  }
0x40: {  	[sflag:s20] =	ssyncset.done @!p0 $0x0  }
0x41: {  	s19 =	sadd.s32 $0x20, s6;
	[sflag:s20] =	ssyncadd.s32 @!p0 $0xFFFFC000  }
0x42: {  	[spmem:s2] =	stream.indirect.scatter.add.f32 @!p0 [tilespmem:s18], [sflag:$0x2], $0x80, s21, s21, $0xb8;
	[tilespmem:$0x18100] =	vst v63  }
0x43: {  	p2 =	sgt.u32 s19, $0x9C3;
	s21 =	simm.s32 @!p0 $0x2  }
0x44: {  	s20 =	simm.s32 $0x400;
	s18 =	simm.s32 $0x200;
	_ =	swait.ge @!p0 [sflag:s21], $0x4000  }
.LBB2_4:
0x45: {  	s22 =	sadd.s32 @!p2 s18, s14  }
0x46: {  	s23 =	simm.s32 @!p2 $0x0;
	[sflag:s21] =	ssyncset.done @!p0 $0x0;
	s24 =	smov.u32 s20  }
0x47: {  	s20 =	sadd.s32 $0x200, s20;
	s25 =	simm.s32 @!p2 $0x3;
	[sflag:s21] =	ssyncadd.s32 @!p0 $0xFFFFC000  }
0x48: {  	[tilespmem:s23], [sflag:$0x3] =	stream.linear.gather @!p2 [hbm4b:s22+s23], $0x80, $0x38;
	[tilespmem:$0x18100] =	vst v63  }
0x49: {  	p1 =	sne.s32 s20, $0x9E00;
	p0 =	por p2, p2;
	_ =	swait.ge @!p2 [sflag:s25], $0x80  }
0x4a: {  	[sflag:s25] =	ssyncset.done @!p0 $0x0  }
0x4b: {  	s18 =	sadd.s32 @!p0 s18, s13;
	s22 =	simm.s32 @!p0 $0x80;
	[sflag:s25] =	ssyncadd.s32 @!p0 $0xFFFFFF80  }
0x4c: {  	[tilespmem:s22], [sflag:$0x3] =	stream.linear.gather @!p0 [hbm4b:s18+s23], $0x80, $0x38;
	[tilespmem:$0x18100] =	vst v63  }
0x4d: {  	s18 =	smov.u32 s24;
	_ =	swait.ge @!p0 [sflag:s25], $0x80  }
0x4e: {  	[sflag:s25] =	ssyncset.done @!p0 $0x0  }
0x4f: {  	s21 =	simm.s32 @!p0 $0x1;
	s24 =	simm.s32 @!p0 $0x100;
	[sflag:s25] =	ssyncadd.s32 @!p0 $0xFFFFFF80  }
0x50: {  	[tilespmem:s24], [sflag:$0x1] =	stream.indirect.gather @!p0 [hbm4b:s1+s22], $0x80, s23, s22, $0xb8;
	[tilespmem:$0x18100] =	vst v63  }
.Ltmp1:
0x51: {  	_ =	swait.ge @!p0 [sflag:s21], $0x4000;
	(pc) =	sbr.rel @p1 .LBB2_4-.Ltmp1, $4  }
0x52: {  	[sflag:s21] =	ssyncset.done @!p0 $0x0  }
0x53: {  	s19 =	sadd.s32 $0x20, s19;
	[sflag:s21] =	ssyncadd.s32 @!p0 $0xFFFFC000;
	s21 =	simm.s32 @!p0 $0x2  }
0x54: {  	[spmem:s2] =	stream.indirect.scatter.add.f32 @!p0 [tilespmem:s24], [sflag:$0x2], $0x80, s22, s22, $0xb8;
	[tilespmem:$0x18100] =	vst v63  }
0x55: {  	p2 =	sgt.u32 s19, $0x9C3;
	_ =	swait.ge @!p0 [sflag:s21], $0x4000  }
0x56: {  	s19 =	sadd.s32 @!p2 s18, s14;
	[sflag:s21] =	ssyncset.done @!p0 $0x0  }
0x57: {  	s20 =	simm.s32 @!p2 $0x0;
	s22 =	simm.s32 @!p2 $0x3;
	[sflag:s21] =	ssyncadd.s32 @!p0 $0xFFFFC000  }
0x58: {  	[tilespmem:s20], [sflag:$0x3] =	stream.linear.gather @!p2 [hbm4b:s19+s20], $0x80, $0x38;
	[tilespmem:$0x18100] =	vst v63  }
0x59: {  	p0 =	por p2, p2;
	_ =	swait.ge @!p2 [sflag:s22], $0x80  }
0x5a: {  	[sflag:s22] =	ssyncset.done @!p0 $0x0  }
0x5b: {  	s18 =	sadd.s32 @!p0 s18, s13;
	s19 =	simm.s32 @!p0 $0x80;
	[sflag:s22] =	ssyncadd.s32 @!p0 $0xFFFFFF80  }
0x5c: {  	[tilespmem:s19], [sflag:$0x3] =	stream.linear.gather @!p0 [hbm4b:s18+s20], $0x80, $0x38;
	[tilespmem:$0x18100] =	vst v63  }
0x5d: {  	_ =	swait.ge @!p0 [sflag:s22], $0x80  }
0x5e: {  	[sflag:s22] =	ssyncset.done @!p0 $0x0  }
0x5f: {  	s21 =	simm.s32 @!p0 $0x1;
	s18 =	simm.s32 @!p0 $0x100;
	[sflag:s22] =	ssyncadd.s32 @!p0 $0xFFFFFF80  }
0x60: {  	[tilespmem:s18], [sflag:$0x1] =	stream.indirect.gather @!p0 [hbm4b:s1+s19], $0x80, s20, s19, $0xb8;
	[tilespmem:$0x18100] =	vst v63  }
0x61: {  	_ =	swait.ge @!p0 [sflag:s21], $0x4000  }
0x62: {  	[sflag:s21] =	ssyncset.done @!p0 $0x0  }
0x63: {  	s20 =	simm.s32 @!p0 $0x2;
	[sflag:s21] =	ssyncadd.s32 @!p0 $0xFFFFC000  }
0x64: {  	[spmem:s2] =	stream.indirect.scatter.add.f32 @!p0 [tilespmem:s18], [sflag:$0x2], $0x80, s19, s19, $0xb8;
	[tilespmem:$0x18100] =	vst v63  }
0x65: {  	_ =	swait.ge @!p0 [sflag:s20], $0x4000  }
0x66: {  	s4 =	sadd.s32 $0x1, s4;
	[sflag:s20] =	ssyncset.done @!p0 $0x0  }
0x67: {  	[sflag:s20] =	ssyncadd.s32 @!p0 $0xFFFFC000;
	p0 =	sne.s32 s4, s12  }
.Ltmp2:
0x68: {  	s31 =	sshrl.u32 s5, $0x3;
	[bflag:$0x0] =	sbarrier.arrive $0xFFFF;
	(pc) =	sbr.rel @p0 .LBB2_1-.Ltmp2, $4  }
0x69: {  	[hbm:s11], [sflag:s17] =	dma.local [spmem:s31], $0x2800  }
0x6a: {  	_ =	swait.ge [sflag:s16], $0x2800  }
0x6b: {  	[sflag:s16] =	ssyncset.done $0x0  }
0x6c: {  	[sflag:s16] =	ssyncadd.s32 $0xFFFFD800  }
0x6d: {  	_ =	sfence.sel $0x180000  }
0x6e: {  	[bflag:$0x0] =	sbarrier.arrive $0xFFFF  }
0x6f: {  	p0 =	sne.s32 s3, $0x0;
	_ =	strace $0x90000047  }
0x70: {  	s0 =	sadd.s32 @!p0 $0x100000, s0;
	[bflag:$0x2] =	sbarrier.arrive $0xFFFF  }
0x71: {  	[sflag:s0] =	ssyncadd.tile.s32 @!p0 $0x1;
	_ =	shalt  }
.Lfunc_end2:
_tile_overlayer_lowered:
.L_overlay_start_2:
0x72: {  	(tag) =	ssettag $0x2  }
0x73: {  	s0 =	rddreg [dreg:$0x0];
	s2 =	stileid.u32  }
0x74: {  	s1 =	rddreg [dreg:$0x1];
	p0 =	sne.s32 s2, $0x0  }
0x75: {  	s3 =	rddreg [dreg:$0x2];
	[bflag:$0x3] =	sbarrier.arrive $0xFFFF;
	s2 =	simm.s32 @!p0 $0x1C02  }
0x76: {  	[timem:s3], [sflag:s2] =	dma.local @!p0 [hbm:s0], s1  }
0x77: {  	s0 =	simm.s32 @!p0 $0x2  }
0x78: {  	_ =	swait.ge @!p0 [sflag:s0], s1  }
0x79: {  	s1 =	ssub.s32 @!p0 $0x0, s1;
	[sflag:s0] =	ssyncset.done @!p0 $0x0  }
0x7a: {  	[sflag:s0] =	ssyncadd.s32 @!p0 s1  }
0x7b: {  	[bflag:$0x3] =	sbarrier.arrive $0xFFFF  }
0x7c: {  	_ =	shalt  }

// kernel: kernel.9.cloned.1.call-start
scs
__scs_entry_jumppad:
0x0: {  	(pc) =	sbr.rel $0x88, $3  }
0x1: {  	(tag) =	ssettag $0x0;
	lr =	simm.s32 $0x1  }
0x2: {  	[smem:$0x3F8A] =	sst lr;
	_ =	strace $0xD0000000  }
0x3: {  	_ = 	snop  }
0x4: {  	_ = 	snop  }
0x5: {  	_ = 	snop  }
0x6: {  	_ = 	snop  }
0x7: {  	_ = 	snop  }
__scs_overlays_trampoline_lowered:
0x8: {  	[smem:$0x3F99] =	sst s0  }
0x9: {  	[smem:$0x3F9A] =	sst s1  }
0xa: {  	[smem:$0x3F9B] =	sst s2  }
0xb: {  	[smem:$0x3F9C] =	sst s3  }
0xc: {  	[smem:$0x3F9D] =	sst s4  }
0xd: {  	[smem:$0x3F9E] =	sst s5  }
0xe: {  	[smem:$0x3F9F] =	sst s6  }
0xf: {  	[smem:$0x3FA0] =	sst s7  }
0x10: {  	[smem:$0x3FA1] =	sst s8  }
0x11: {  	[smem:$0x3FA2] =	sst s9;
	s0 =	simm.s32 @!p0 $0x0  }
0x12: {  	s1 =	sld [smem:$0x3F88];
	s0 =	simm.s32 @p0 $0x1  }
0x13: {  	[smem:$0x3FA3] =	sst s0;
	s0 =	simm.s32 @!p1 $0x0  }
0x14: {  	s2 =	sld [smem:$0x3F87];
	s0 =	simm.s32 @p1 $0x1  }
0x15: {  	[smem:$0x3FA4] =	sst s0;
	s0 =	simm.s32 @!p2 $0x0  }
0x16: {  	s3 =	sld [smem:$0x3FDB];
	s0 =	simm.s32 @p2 $0x1  }
0x17: {  	s4 =	simm.s32 $0x1BF5;
	[smem:$0x3FA6] =	sst s0  }
0x18: {  	s0 =	sld [smem:$0x3F89];
	_ =	swait.ge [sflag:s4], $0x0  }
0x19: {  	s7 =	sld [smem:$0x3F8A]  }
0x1a: {  	s8 =	sadd.s32 $0xFFFFE003, lr  }
0x1b: {  	s9 =	sadd.s32 $0xFFFFFEF7, lr;
	s5 =	simm.s32 $0xFFFFFFFF;
	p2 =	slt.u32 s8, $0xFFFFF086  }
0x1c: {  	p1 =	slt.u32 s9, $0xF7A;
	s5 =	simm.s32 @!p2 $0x0  }
0x1d: {  	s5 =	simm.s32 @p1 $0x1;
	p0 =	seq.s32 s7, s2  }
0x1e: {  	s7 =	smul.u32 @!p0 $0xF7A, s2;
	p2 =	seq.s32 @!p0 s5, $0x0  }
0x1f: {  	s9 =	smul.u32 $0xF7A, s1;
	s8 =	simm.s32 @!p0 $0x1BF5;
	p2 =	por !p2, p0  }
0x20: {  	[sflag:s8] =	ssyncset.s32 @!p0 $0xFFFFF086;
	s6 =	sadd.s32 @!p0 s3, s7;
	s7 =	simm.s32 @!p0 $0x108  }
0x21: {  	s3 =	sadd.s32 s3, s9;
	s6 =	sadd.s32 @!p0 $0x88, s6;
	s7 =	simm.s32 @p2 $0x1082  }
0x22: {  	[simem:s7], [sflag:s8] =	dma.local @!p0 [hbm:s6], $0xF7A  }
0x23: {  	s9 =	sor.u32 $0xD0000000, s2;
	s6 =	simm.s32 $0x108;
	_ =	swait.ge @!p0 [sflag:s8], $0x0  }
0x24: {  	s3 =	sadd.s32 $0x88, s3;
	s6 =	simm.s32 @!p1 $0x1082;
	[sflag:s4] =	ssyncset.s32 $0xFFFFF086  }
0x25: {  	[simem:s6], [sflag:s4] =	dma.local [hbm:s3], $0xF7A  }
0x26: {  	[smem:$0x3F8A] =	sst s1;
	(tag) =	ssettag s2;
	_ =	strace s9  }
0x27: {  	s1 =	sld [smem:$0x3F9A]  }
0x28: {  	s2 =	sld [smem:$0x3F9B]  }
0x29: {  	s4 =	sld [smem:$0x3F9D]  }
0x2a: {  	p0 =	seq.s32 s5, $0x0;
	s5 =	sld [smem:$0x3F9E]  }
0x2b: {  	s6 =	sld [smem:$0x3F9F]  }
0x2c: {  	s7 =	sld [smem:$0x3FA0]  }
0x2d: {  	s3 =	simm.s32 $0x108;
	s8 =	sld [smem:$0x3FA1]  }
0x2e: {  	s3 =	simm.s32 @!p0 $0x1082;
	s9 =	sld [smem:$0x3FA2]  }
0x2f: {  	lr =	sadd.s32 s0, s3;
	s0 =	sld [smem:$0x3F99]  }
0x30: {  	s3 =	sld [smem:$0x3F9C]  }
0x31: {  	[smem:$0x3FA5] =	sst s10  }
0x32: {  	s10 =	sld [smem:$0x3FA3];
	_ =	sdelay $0x3  }
0x33: {  	p0 =	seq.s32 s10, $0x1;
	s10 =	sld [smem:$0x3FA5];
	_ =	sdelay $0x3  }
0x34: {  	[smem:$0x3FA5] =	sst s10  }
0x35: {  	s10 =	sld [smem:$0x3FA4];
	_ =	sdelay $0x3  }
0x36: {  	p1 =	seq.s32 s10, $0x1;
	s10 =	sld [smem:$0x3FA5];
	_ =	sdelay $0x3  }
0x37: {  	[smem:$0x3FA5] =	sst s10  }
0x38: {  	s10 =	sld [smem:$0x3FA6]  }
0x39: {  	_ = 	snop;
	(pc) =	sbr.ind lr, $3  }
0x3a: {  	_ = 	snop  }
0x3b: {  	_ = 	snop  }
0x3c: {  	p2 =	seq.s32 s10, $0x1;
	s10 =	sld [smem:$0x3FA5]  }
0x3d: {  	_ =	shalt  }
0x3e: {  	_ =	shalt  }
0x3f: {  	_ =	shalt  }
0x40: {  	_ =	shalt  }
0x41: {  	_ =	shalt  }
0x42: {  	_ =	shalt  }
0x43: {  	_ =	shalt  }
0x44: {  	_ =	shalt  }
0x45: {  	_ =	shalt  }
0x46: {  	_ =	shalt  }
0x47: {  	_ =	shalt  }
0x48: {  	_ =	shalt  }
0x49: {  	_ =	shalt  }
0x4a: {  	_ =	shalt  }
0x4b: {  	_ =	shalt  }
0x4c: {  	_ =	shalt  }
0x4d: {  	_ =	shalt  }
0x4e: {  	_ =	shalt  }
0x4f: {  	_ =	shalt  }
0x50: {  	_ =	shalt  }
0x51: {  	_ =	shalt  }
0x52: {  	_ =	shalt  }
0x53: {  	_ =	shalt  }
0x54: {  	_ =	shalt  }
0x55: {  	_ =	shalt  }
0x56: {  	_ =	shalt  }
0x57: {  	_ =	shalt  }
0x58: {  	_ =	shalt  }
0x59: {  	_ =	shalt  }
0x5a: {  	_ =	shalt  }
0x5b: {  	_ =	shalt  }
0x5c: {  	_ =	shalt  }
0x5d: {  	_ =	shalt  }
0x5e: {  	_ =	shalt  }
0x5f: {  	_ =	shalt  }
0x60: {  	_ =	shalt  }
0x61: {  	_ =	shalt  }
0x62: {  	_ =	shalt  }
0x63: {  	_ =	shalt  }
0x64: {  	_ =	shalt  }
0x65: {  	_ =	shalt  }
0x66: {  	_ =	shalt  }
0x67: {  	_ =	shalt  }
0x68: {  	_ =	shalt  }
0x69: {  	_ =	shalt  }
0x6a: {  	_ =	shalt  }
0x6b: {  	_ =	shalt  }
0x6c: {  	_ =	shalt  }
0x6d: {  	_ =	shalt  }
0x6e: {  	_ =	shalt  }
0x6f: {  	_ =	shalt  }
0x70: {  	_ =	shalt  }
0x71: {  	_ =	shalt  }
0x72: {  	_ =	shalt  }
0x73: {  	_ =	shalt  }
0x74: {  	_ =	shalt  }
0x75: {  	_ =	shalt  }
0x76: {  	_ =	shalt  }
0x77: {  	_ =	shalt  }
0x78: {  	_ =	shalt  }
0x79: {  	_ =	shalt  }
0x7a: {  	_ =	shalt  }
0x7b: {  	_ =	shalt  }
0x7c: {  	_ =	shalt  }
0x7d: {  	_ =	shalt  }
0x7e: {  	_ =	shalt  }
0x7f: {  	_ =	shalt  }
0x80: {  	_ =	shalt  }
0x81: {  	_ =	shalt  }
0x82: {  	_ =	shalt  }
0x83: {  	_ =	shalt  }
0x84: {  	_ =	shalt  }
0x85: {  	_ =	shalt  }
0x86: {  	_ =	shalt  }
0x87: {  	_ =	shalt  }
.Lfunc_end0:
.L_simem_size_0:
called_computation.1_lowered:
.L_overlay_start_0:
0x88: {  	s2 =	sld [smem:$0x3FD9]  }
0x89: {  	s3 =	sld [smem:$0x3FFE];
	_ =	sdelay $0x1  }
0x8a: {  	s1 =	srdreg.scid  }
0x8b: {  	s0 =	sand.u32 $0x1, s1  }
0x8c: {  	s14 =	sshll.u32 s0, $0xA;
	s2 =	sadd.s32 s3, s2  }
0x8d: {  	s2 =	sadd.s32 s2, s14  }
0x8e: {  	[smem:$0x3FB1] =	sst s2  }
0x8f: {  	_ = 	snop  }
0x90: {  	s2 =	sld [smem:$0x3FD0];
	_ =	sdelay $0x2  }
0x91: {  	s15 =	simm.s32 $0xA;
	s4 =	simm.s32 $0x10  }
0x92: {  	[smem:s4], [sflag:s15] =	dma.local [hbm:s2], $0x1  }
0x93: {  	_ =	swait.eq [sflag:s15], $0x1  }
0x94: {  	[sflag:s15] =	ssyncset.done $0x0  }
0x95: {  	[sflag:s15] =	ssyncadd.s32 $0xFFFFFFFF  }
0x96: {  	s16 =	sld [smem:$0x11];
	(tm) =	ssettm $0x1  }
0x97: {  	s17 =	sld [smem:$0x3FFB];
	_ =	sdelay $0x3  }
0x98: {  	_ =	strace s17  }
0x99: {  	s3 =	sld [smem:$0x3FFC];
	_ =	sdelay $0x3  }
0x9a: {  	_ =	strace s3  }
0x9b: {  	s3 =	sld [smem:$0x3FFD];
	_ =	sdelay $0x3  }
0x9c: {  	_ =	strace s3  }
0x9d: {  	_ =	strace $0x8FFFFFFF  }
0x9e: {  	s18 =	sld [smem:$0x3FDB];
	_ =	sdelay $0x1  }
0x9f: {  	s19 =	simm.s32 $_scs_section_size  }
0xa0: {  	s5 =	simm.s32 $_size__tile_overlayer_lowered;
	s6 =	simm.s32 $_tile_overlayer_lowered  }
0xa1: {  	s22 =	simm.s32 $0x1BFF;
	s21 =	sshll.u32 s6, $0x1;
	s3 =	sadd.s32 s19, s18  }
0xa2: {  	s7 =	simm.s32 $0x0;
	s20 =	sshll.u32 s5, $0x1;
	s5 =	sadd.s32 s21, s3  }
0xa3: {  	[timem:s7], [sflag:s22] =	dma.local [hbm:s5], s20  }
0xa4: {  	_ =	swait.ge [sflag:s22], s20  }
0xa5: {  	s4 =	ssub.s32 $0x0, s20;
	[sflag:s22] =	ssyncset.done $0x0  }
0xa6: {  	[sflag:s22] =	ssyncadd.s32 s4;
	_ =	sdelay $0x1  }
0xa7: {  	s23 =	simm.s32 $0x1B8B  }
0xa8: {  	_ =	swait.ge [sflag:s23], $0x1  }
0xa9: {  	[sflag:s23] =	ssyncset.done $0x0  }
0xaa: {  	s25 =	simm.s32 $0x1B8E;
	s24 =	sld [smem:$0x3FFE];
	[sflag:s23] =	ssyncadd.s32 $0xFFFFFFFF  }
0xab: {  	s26 =	simm.s32 $execute0_lowered;
	[smem:$0x3FD2] =	sst s25  }
0xac: {  	s5 =	sshll.u32 s26, $0x1;
	_ =	strace $0x80000049;
	[dreg:$0x1] =	wrdreg $0xFFFFFFFF  }
0xad: {  	s28 =	simm.s32 $_size_execute0_lowered;
	s3 =	sadd.s32 s3, s5;
	[dreg:$0x0] =	wrdreg $0x0  }
0xae: {  	s5 =	sshll.u32 s28, $0x1;
	[dreg:$0x2] =	wrdreg s3  }
0xaf: {  	[dreg:$0x3] =	wrdreg s5  }
0xb0: {  	[dreg:$0x4] =	wrdreg $0xC0  }
0xb1: {  	_ =	task [dreg:s7], $0x5FFFF  }
0xb2: {  	[dreg:$0x1] =	wrdreg $0xFFFFFFFF  }
0xb3: {  	[dreg:$0x0] =	wrdreg $0x60  }
0xb4: {  	[dreg:$0x2] =	wrdreg s24  }
0xb5: {  	[dreg:$0x3] =	wrdreg s16  }
0xb6: {  	[dreg:$0x4] =	wrdreg $0x41000  }
0xb7: {  	[dreg:$0x5] =	wrdreg $0x9  }
0xb8: {  	_ =	task.clear_ibuf [dreg:s7], $0x6FFFF;
	_ =	strace $0x90000049  }
0xb9: {  	s29 =	simm.s32 $0x9;
	_ =	strace $0x8000004B  }
0xba: {  	_ =	swait.ge [sflag:s29], $0x1  }
0xbb: {  	[sflag:s29] =	ssyncadd.s32 $0xFFFFFFFF  }
0xbc: {  	_ =	strace $0x9000004B  }
0xbd: {  	_ =	sfence  }
0xbe: {  	s30 =	sld [smem:$0x0];
	_ =	sdelay $0x2  }
0xbf: {  	s31 =	sshll.u32 s1, $0xD;
	s1 =	sshrl.u32 s1, $0x2  }
0xc0: {  	s3 =	sand.u32 $0x4000, s31;
	s1 =	sadd.s32 s1, s30  }
0xc1: {  	s0 =	sor.u32 s3, s0;
	s1 =	sshll.u32 s1, $0x11  }
0xc2: {  	s0 =	sor.u32 s1, s0  }
0xc3: {  	s0 =	sadd.s32 $0x8F2B, s0  }
0xc4: {  	[sflag:s0] =	ssyncadd.remote.s32 $0x1  }
0xc5: {  	_ =	sfence.sel $0xFFFF  }
0xc6: {  	[dreg:$0x0] =	wrdreg $0xFFFFFFFF;
	(pc) =	sbr.abs _section_cstart, $3  }
0xc7: {  	[dreg:$0x1] =	wrdreg $0xFFFFFFFF  }
0xc8: {  	_ =	task.clear_ibuf [dreg:s7], $0x2FFFF;
	_ =	strace $0x9FFFFFFF  }
0xc9: {  	(tm) =	ssettm $0x7FFFFFFF  }
tec
execute0_lowered:
.L_overlay_start_1:
0x0: {  	(tag) =	ssettag $0x1  }
0x1: {  	s5 =	rddreg [dreg:$0x0]  }
0x2: {  	s1 =	rddreg [dreg:$0x1]  }
0x3: {  	s2 =	rddreg [dreg:$0x2]  }
0x4: {  	s3 =	srdreg.scid;
	s0 =	rddreg [dreg:$0x3]  }
0x5: {  	s4 =	simm.s32 $0x0;
	s11 =	sand.u32 $0x1, s3;
	s3 =	stileid.u32  }
0x6: {  	s16 =	simm.s32 $0x2;
	[smem:$0x7FF] =	sst s4;
	s6 =	smul.u32 $0x140000, s11  }
0x7: {  	s7 =	smul.u32 $0x14000, s3;
	_ =	strace $0x8000004A;
	s8 =	sshll.u32 s3, $0x5  }
0x8: {  	s9 =	smul.u32 $0x50000, s3;
	s29 =	ssub.s32 $0x2, s11;
	s15 =	sshll.u32 s11, $0x4  }
0x9: {  	s17 =	sshll.u32 s3, $0x6;
	s13 =	sadd.s32 s8, s5;
	s30 =	sshrl.u32 s29, $0x1  }
0xa: {  	s17 =	sor.u32 $0x1C02, s17;
	s6 =	sadd.s32 s7, s6;
	s9 =	sshrl.u32 s9, $0x2  }
0xb: {  	s14 =	ssub.s32 s29, s30;
	s31 =	sadd.s32 s15, s13;
	s6 =	sshrl.u32 s6, $0x3  }
0xc: {  	s15 =	simm.s32 $0x100;
	s12 =	sadd.s32 s6, s5;
	s5 =	sadd.s32 s9, s2  }
0xd: {  	s13 =	sadd.s32 $0x3600, s31;
	s6 =	sshll.u32 s3, $0x1;
	s7 =	sadd.s32 $0x4000, s5  }
0xe: {  	s8 =	sadd.s32 $0x8000, s5;
	s9 =	sadd.s32 $0xC000, s5;
	s10 =	sadd.s32 $0x10000, s5  }
0xf: {  	v0 =	vimm.f32 $0.0e+00;
	s11 =	sadd.s32 $0x17200, s12;
	s12 =	smax.u32 s14, $0x1;
	s14 =	sadd.s32 $0xD400, s31  }
.LBB2_1:
0x10: {  	s18 =	simm.s32 $0x0;
	s19 =	simm.s32 $0x200  }
.LBB2_2:
0x11: {  	p0 =	sne.s32 s19, $0xFE00;
	[tilespmem:s18+$0x170] =	vst v0  }
0x12: {  	[tilespmem:s18+$0x100] =	vst v0  }
0x13: {  	[tilespmem:s18+$0x110] =	vst v0  }
.Ltmp0:
0x14: {  	[tilespmem:s18+$0x120] =	vst v0;
	(pc) =	sbr.rel @p0 .LBB2_2-.Ltmp0, $4  }
0x15: {  	[tilespmem:s18+$0x130] =	vst v0  }
0x16: {  	[tilespmem:s18+$0x140] =	vst v0  }
0x17: {  	[tilespmem:s18+$0x150] =	vst v0  }
0x18: {  	[tilespmem:s18+$0x160] =	vst v0;
	s18 =	sshra.s32 s19, $0x2;
	s19 =	sadd.s32 $0x200, s19  }
0x19: {  	[tilespmem:s18+$0x170] =	vst v0  }
0x1a: {  	[tilespmem:s18+$0x100] =	vst v0  }
0x1b: {  	[tilespmem:s18+$0x110] =	vst v0  }
0x1c: {  	[tilespmem:s18+$0x120] =	vst v0  }
0x1d: {  	[tilespmem:s18+$0x130] =	vst v0  }
0x1e: {  	[tilespmem:s18+$0x140] =	vst v0  }
0x1f: {  	[tilespmem:s18+$0x150] =	vst v0  }
0x20: {  	[tilespmem:s18+$0x160] =	vst v0  }
0x21: {  	[spmem:s5] =	stream.linear.scatter [tilespmem:s15], [sflag:$0x2], $0x4000, $0x38;
	[tilespmem:$0x18100] =	vst v63  }
0x22: {  	_ =	swait.ge [sflag:s16], $0x4000  }
0x23: {  	[sflag:s16] =	ssyncset.done $0x0  }
0x24: {  	[sflag:s16] =	ssyncadd.s32 $0xFFFFC000  }
0x25: {  	[spmem:s7] =	stream.linear.scatter [tilespmem:s15], [sflag:$0x2], $0x4000, $0x38;
	[tilespmem:$0x18100] =	vst v63  }
0x26: {  	_ =	swait.ge [sflag:s16], $0x4000  }
0x27: {  	[sflag:s16] =	ssyncset.done $0x0  }
0x28: {  	[sflag:s16] =	ssyncadd.s32 $0xFFFFC000  }
0x29: {  	[spmem:s8] =	stream.linear.scatter [tilespmem:s15], [sflag:$0x2], $0x4000, $0x38;
	[tilespmem:$0x18100] =	vst v63  }
0x2a: {  	_ =	swait.ge [sflag:s16], $0x4000  }
0x2b: {  	[sflag:s16] =	ssyncset.done $0x0  }
0x2c: {  	[sflag:s16] =	ssyncadd.s32 $0xFFFFC000  }
0x2d: {  	[spmem:s9] =	stream.linear.scatter [tilespmem:s15], [sflag:$0x2], $0x4000, $0x38;
	[tilespmem:$0x18100] =	vst v63  }
0x2e: {  	_ =	swait.ge [sflag:s16], $0x4000  }
0x2f: {  	[sflag:s16] =	ssyncset.done $0x0  }
0x30: {  	[sflag:s16] =	ssyncadd.s32 $0xFFFFC000  }
0x31: {  	[spmem:s10] =	stream.linear.scatter [tilespmem:s15], [sflag:$0x2], $0x4000, $0x38;
	[tilespmem:$0x18100] =	vst v63  }
0x32: {  	_ =	swait.ge [sflag:s16], $0x4000  }
0x33: {  	p0 =	sgt.u32 s6, $0x9C3;
	[sflag:s16] =	ssyncset.done $0x0  }
0x34: {  	s18 =	sadd.s32 @!p0 $0x0, s14;
	[sflag:s16] =	ssyncadd.s32 $0xFFFFC000  }
0x35: {  	s19 =	simm.s32 @!p0 $0x0;
	s20 =	simm.s32 @!p0 $0x3;
	[bflag:$0x0] =	sbarrier.arrive $0xFFFF  }
0x36: {  	[tilespmem:s19], [sflag:$0x3] =	stream.linear.gather @!p0 [hbm4b:s18+s19], $0x80, $0x38;
	[tilespmem:$0x18100] =	vst v63  }
0x37: {  	_ =	swait.ge @!p0 [sflag:s20], $0x80;
	p0 =	por p0, p0  }
0x38: {  	[sflag:s20] =	ssyncset.done @!p0 $0x0  }
0x39: {  	s18 =	sadd.s32 @!p0 $0x0, s13;
	s21 =	simm.s32 @!p0 $0x80;
	[sflag:s20] =	ssyncadd.s32 @!p0 $0xFFFFFF80  }
0x3a: {  	[tilespmem:s21], [sflag:$0x3] =	stream.linear.gather @!p0 [hbm4b:s18+s19], $0x80, $0x38;
	[tilespmem:$0x18100] =	vst v63  }
0x3b: {  	_ =	swait.ge @!p0 [sflag:s20], $0x80  }
0x3c: {  	[sflag:s20] =	ssyncset.done @!p0 $0x0  }
0x3d: {  	s18 =	simm.s32 @!p0 $0x100;
	[sflag:s20] =	ssyncadd.s32 @!p0 $0xFFFFFF80;
	s20 =	simm.s32 @!p0 $0x1  }
0x3e: {  	[tilespmem:s18], [sflag:$0x1] =	stream.indirect.gather @!p0 [hbm4b:s1+s21], $0x80, s19, s21, $0xb8;
	[tilespmem:$0x18100] =	vst v63  }
0x3f: {  	_ =	swait.ge @!p0 [sflag:s20], $0x4000  }
0x40: {  	[sflag:s20] =	ssyncset.done @!p0 $0x0  }
0x41: {  	s19 =	sadd.s32 $0x20, s6;
	[sflag:s20] =	ssyncadd.s32 @!p0 $0xFFFFC000  }
0x42: {  	[spmem:s2] =	stream.indirect.scatter.add.f32 @!p0 [tilespmem:s18], [sflag:$0x2], $0x80, s21, s21, $0xb8;
	[tilespmem:$0x18100] =	vst v63  }
0x43: {  	p2 =	sgt.u32 s19, $0x9C3;
	s21 =	simm.s32 @!p0 $0x2  }
0x44: {  	s20 =	simm.s32 $0x400;
	s18 =	simm.s32 $0x200;
	_ =	swait.ge @!p0 [sflag:s21], $0x4000  }
.LBB2_4:
0x45: {  	s22 =	sadd.s32 @!p2 s18, s14  }
0x46: {  	s23 =	simm.s32 @!p2 $0x0;
	[sflag:s21] =	ssyncset.done @!p0 $0x0;
	s24 =	smov.u32 s20  }
0x47: {  	s20 =	sadd.s32 $0x200, s20;
	s25 =	simm.s32 @!p2 $0x3;
	[sflag:s21] =	ssyncadd.s32 @!p0 $0xFFFFC000  }
0x48: {  	[tilespmem:s23], [sflag:$0x3] =	stream.linear.gather @!p2 [hbm4b:s22+s23], $0x80, $0x38;
	[tilespmem:$0x18100] =	vst v63  }
0x49: {  	p1 =	sne.s32 s20, $0x9E00;
	p0 =	por p2, p2;
	_ =	swait.ge @!p2 [sflag:s25], $0x80  }
0x4a: {  	[sflag:s25] =	ssyncset.done @!p0 $0x0  }
0x4b: {  	s18 =	sadd.s32 @!p0 s18, s13;
	s22 =	simm.s32 @!p0 $0x80;
	[sflag:s25] =	ssyncadd.s32 @!p0 $0xFFFFFF80  }
0x4c: {  	[tilespmem:s22], [sflag:$0x3] =	stream.linear.gather @!p0 [hbm4b:s18+s23], $0x80, $0x38;
	[tilespmem:$0x18100] =	vst v63  }
0x4d: {  	s18 =	smov.u32 s24;
	_ =	swait.ge @!p0 [sflag:s25], $0x80  }
0x4e: {  	[sflag:s25] =	ssyncset.done @!p0 $0x0  }
0x4f: {  	s21 =	simm.s32 @!p0 $0x1;
	s24 =	simm.s32 @!p0 $0x100;
	[sflag:s25] =	ssyncadd.s32 @!p0 $0xFFFFFF80  }
0x50: {  	[tilespmem:s24], [sflag:$0x1] =	stream.indirect.gather @!p0 [hbm4b:s1+s22], $0x80, s23, s22, $0xb8;
	[tilespmem:$0x18100] =	vst v63  }
.Ltmp1:
0x51: {  	_ =	swait.ge @!p0 [sflag:s21], $0x4000;
	(pc) =	sbr.rel @p1 .LBB2_4-.Ltmp1, $4  }
0x52: {  	[sflag:s21] =	ssyncset.done @!p0 $0x0  }
0x53: {  	s19 =	sadd.s32 $0x20, s19;
	[sflag:s21] =	ssyncadd.s32 @!p0 $0xFFFFC000;
	s21 =	simm.s32 @!p0 $0x2  }
0x54: {  	[spmem:s2] =	stream.indirect.scatter.add.f32 @!p0 [tilespmem:s24], [sflag:$0x2], $0x80, s22, s22, $0xb8;
	[tilespmem:$0x18100] =	vst v63  }
0x55: {  	p2 =	sgt.u32 s19, $0x9C3;
	_ =	swait.ge @!p0 [sflag:s21], $0x4000  }
0x56: {  	s19 =	sadd.s32 @!p2 s18, s14;
	[sflag:s21] =	ssyncset.done @!p0 $0x0  }
0x57: {  	s20 =	simm.s32 @!p2 $0x0;
	s22 =	simm.s32 @!p2 $0x3;
	[sflag:s21] =	ssyncadd.s32 @!p0 $0xFFFFC000  }
0x58: {  	[tilespmem:s20], [sflag:$0x3] =	stream.linear.gather @!p2 [hbm4b:s19+s20], $0x80, $0x38;
	[tilespmem:$0x18100] =	vst v63  }
0x59: {  	p0 =	por p2, p2;
	_ =	swait.ge @!p2 [sflag:s22], $0x80  }
0x5a: {  	[sflag:s22] =	ssyncset.done @!p0 $0x0  }
0x5b: {  	s18 =	sadd.s32 @!p0 s18, s13;
	s19 =	simm.s32 @!p0 $0x80;
	[sflag:s22] =	ssyncadd.s32 @!p0 $0xFFFFFF80  }
0x5c: {  	[tilespmem:s19], [sflag:$0x3] =	stream.linear.gather @!p0 [hbm4b:s18+s20], $0x80, $0x38;
	[tilespmem:$0x18100] =	vst v63  }
0x5d: {  	_ =	swait.ge @!p0 [sflag:s22], $0x80  }
0x5e: {  	[sflag:s22] =	ssyncset.done @!p0 $0x0  }
0x5f: {  	s21 =	simm.s32 @!p0 $0x1;
	s18 =	simm.s32 @!p0 $0x100;
	[sflag:s22] =	ssyncadd.s32 @!p0 $0xFFFFFF80  }
0x60: {  	[tilespmem:s18], [sflag:$0x1] =	stream.indirect.gather @!p0 [hbm4b:s1+s19], $0x80, s20, s19, $0xb8;
	[tilespmem:$0x18100] =	vst v63  }
0x61: {  	_ =	swait.ge @!p0 [sflag:s21], $0x4000  }
0x62: {  	[sflag:s21] =	ssyncset.done @!p0 $0x0  }
0x63: {  	s20 =	simm.s32 @!p0 $0x2;
	[sflag:s21] =	ssyncadd.s32 @!p0 $0xFFFFC000  }
0x64: {  	[spmem:s2] =	stream.indirect.scatter.add.f32 @!p0 [tilespmem:s18], [sflag:$0x2], $0x80, s19, s19, $0xb8;
	[tilespmem:$0x18100] =	vst v63  }
0x65: {  	_ =	swait.ge @!p0 [sflag:s20], $0x4000  }
0x66: {  	s4 =	sadd.s32 $0x1, s4;
	[sflag:s20] =	ssyncset.done @!p0 $0x0  }
0x67: {  	[sflag:s20] =	ssyncadd.s32 @!p0 $0xFFFFC000;
	p0 =	sne.s32 s4, s12  }
.Ltmp2:
0x68: {  	s31 =	sshrl.u32 s5, $0x3;
	[bflag:$0x0] =	sbarrier.arrive $0xFFFF;
	(pc) =	sbr.rel @p0 .LBB2_1-.Ltmp2, $4  }
0x69: {  	[hbm:s11], [sflag:s17] =	dma.local [spmem:s31], $0x2800  }
0x6a: {  	_ =	swait.ge [sflag:s16], $0x2800  }
0x6b: {  	[sflag:s16] =	ssyncset.done $0x0  }
0x6c: {  	[sflag:s16] =	ssyncadd.s32 $0xFFFFD800  }
0x6d: {  	_ =	sfence.sel $0x180000  }
0x6e: {  	[bflag:$0x0] =	sbarrier.arrive $0xFFFF  }
0x6f: {  	p0 =	sne.s32 s3, $0x0;
	_ =	strace $0x9000004A  }
0x70: {  	s0 =	sadd.s32 @!p0 $0x100000, s0;
	[bflag:$0x2] =	sbarrier.arrive $0xFFFF  }
0x71: {  	[sflag:s0] =	ssyncadd.tile.s32 @!p0 $0x1;
	_ =	shalt  }
.Lfunc_end2:
_tile_overlayer_lowered:
.L_overlay_start_2:
0x72: {  	(tag) =	ssettag $0x2  }
0x73: {  	s0 =	rddreg [dreg:$0x0];
	s2 =	stileid.u32  }
0x74: {  	s1 =	rddreg [dreg:$0x1];
	p0 =	sne.s32 s2, $0x0  }
0x75: {  	s3 =	rddreg [dreg:$0x2];
	[bflag:$0x3] =	sbarrier.arrive $0xFFFF;
	s2 =	simm.s32 @!p0 $0x1C02  }
0x76: {  	[timem:s3], [sflag:s2] =	dma.local @!p0 [hbm:s0], s1  }
0x77: {  	s0 =	simm.s32 @!p0 $0x2  }
0x78: {  	_ =	swait.ge @!p0 [sflag:s0], s1  }
0x79: {  	s1 =	ssub.s32 @!p0 $0x0, s1;
	[sflag:s0] =	ssyncset.done @!p0 $0x0  }
0x7a: {  	[sflag:s0] =	ssyncadd.s32 @!p0 s1  }
0x7b: {  	[bflag:$0x3] =	sbarrier.arrive $0xFFFF  }
0x7c: {  	_ =	shalt  }

</sc_bundles>
